<compile_context>
chip_gen: v7x
topology: tpu7x:2x2x1
jax: 0.10.2.dev20260603
libtpu: 0.0.44.dev20260713+nightly
codegen_flags: <defaults>
</compile_context>

<pallas_src>
import functools

import jax
import jax.numpy as jnp
from jax import lax
from jax.experimental import pallas as pl
from jax.experimental.pallas import tpu as pltpu
from jax.experimental.pallas import tpu_sc as plsc

N_POINTS = 320000
N_CENTERS = 10000
D_FEAT = 128
LPR = 128
NROWS = N_POINTS // LPR
NC = 2
NS = 16
NW = NC * NS
OCTS = -(-NROWS // 8)
NROWS_PAD = OCTS * 8
MAXR = 8 * (-(-OCTS // NW))
N_CENT_PAD = 10112
STRIPE = N_CENT_PAD // NS


def _worker_range(wid):
    o0 = (wid * OCTS) // NW
    o1 = ((wid + 1) * OCTS) // NW
    start = 8 * o0
    n = jnp.minimum(8 * o1, NROWS) - start
    return start, n


def _sc_segment_sum(points, labels1d, zeros):
    mesh = plsc.VectorSubcoreMesh(core_axis_name="c", subcore_axis_name="s")

    @functools.partial(
        pl.kernel,
        out_type=jax.ShapeDtypeStruct((NC * N_CENT_PAD, D_FEAT), jnp.float32),
        mesh=mesh,
        scratch_types=[
            [pltpu.VMEM((LPR,), jnp.int32) for _ in range(3)],
            [pltpu.VMEM((LPR, D_FEAT), jnp.float32) for _ in range(3)],
            pltpu.VMEM_SHARED((N_CENT_PAD, D_FEAT), jnp.float32),
            [pltpu.SemaphoreType.DMA for _ in range(3)],
            [pltpu.SemaphoreType.DMA for _ in range(3)],
            [pltpu.SemaphoreType.DMA for _ in range(3)],
        ],
    )
    def k(points_hbm, labels_hbm, zeros_hbm, sums_hbm,
          lidx, bufs, acc_s, lsem, dsem, ssem):
        cid = lax.axis_index("c")
        sid = lax.axis_index("s")
        wid = cid * NS + sid

        pltpu.sync_copy(zeros_hbm, acc_s.at[pl.ds(sid * STRIPE, STRIPE)])

        start, n = _worker_range(wid)

        plsc.subcore_barrier()

        def dma_start(i, j):
            r = jnp.minimum(start + i, NROWS - 1)
            pltpu.async_copy(labels_hbm.at[pl.ds(r * LPR, LPR)],
                             lidx[j], lsem[j])
            pltpu.async_copy(points_hbm.at[pl.ds(r * LPR, LPR)],
                             bufs[j], dsem[j])

        def dma_wait(j):
            pltpu.make_async_copy(labels_hbm.at[pl.ds(0, LPR)],
                                  lidx[j], lsem[j]).wait()
            pltpu.make_async_copy(points_hbm.at[pl.ds(0, LPR)],
                                  bufs[j], dsem[j]).wait()

        def scat_start(j):
            pltpu.async_copy(bufs[j], acc_s.at[lidx[j]], ssem[j], add=True)

        def scat_wait(j):
            pltpu.make_async_copy(bufs[j], acc_s.at[lidx[j]],
                                  ssem[j]).wait()

        dma_start(0, 0)
        dma_start(1, 1)
        t = n // 3
        tail = n - 3 * t

        def body(k_, _):
            i0 = 3 * k_

            def step(i, j, pj, first_guard):
                dma_wait(j)
                scat_start(j)
                if first_guard:
                    @pl.when(k_ > 0)
                    def _():
                        scat_wait(pj)
                else:
                    scat_wait(pj)
                dma_start(i + 2, pj)

            step(i0, 0, 2, True)
            step(i0 + 1, 1, 0, False)
            step(i0 + 2, 2, 1, False)
            return _

        lax.fori_loop(0, t, body, None)

        @pl.when(tail > 0)
        def _():
            dma_wait(0)
            scat_start(0)
            scat_wait(2)

        @pl.when(tail > 1)
        def _():
            dma_wait(1)
            scat_start(1)
            scat_wait(0)

        @pl.when(tail == 0)
        def _():
            dma_wait(0)

        @pl.when(tail < 2)
        def _():
            dma_wait(1)

        @pl.when(tail == 0)
        def _():
            scat_wait(2)

        @pl.when(tail == 1)
        def _():
            scat_wait(0)

        @pl.when(tail == 2)
        def _():
            scat_wait(1)

        plsc.subcore_barrier()

        base = cid * N_CENT_PAD + sid * STRIPE
        pltpu.sync_copy(acc_s.at[pl.ds(sid * STRIPE, STRIPE)],
                        sums_hbm.at[pl.ds(base, STRIPE)])

    return k(points, labels1d, zeros)


def _sc_segment_count(labels2d, zeros1d):
    mesh = plsc.VectorSubcoreMesh(core_axis_name="c", subcore_axis_name="s")

    @functools.partial(
        pl.kernel,
        out_type=jax.ShapeDtypeStruct((NW * N_CENT_PAD,), jnp.float32),
        mesh=mesh,
        compiler_params=pltpu.CompilerParams(needs_layout_passes=False),
        scratch_types=[
            pltpu.VMEM((MAXR, LPR), jnp.int32),
            pltpu.VMEM((N_CENT_PAD,), jnp.float32),
        ],
    )
    def k(labels_hbm, zeros_hbm, counts_hbm, idx_v, cnt_v):
        cid = lax.axis_index("c")
        sid = lax.axis_index("s")
        wid = cid * NS + sid

        pltpu.sync_copy(zeros_hbm, cnt_v)
        start, n = _worker_range(wid)
        pltpu.sync_copy(labels_hbm.at[pl.ds(start, MAXR)], idx_v)

        ones16 = jnp.full((16,), 1.0, jnp.float32)

        def body(i, _):
            for j in range(LPR // 16):
                lab16 = idx_v[i, pl.ds(16 * j, 16)]
                plsc.addupdate_scatter(cnt_v, [lab16], ones16)
            return _

        lax.fori_loop(0, n, body, None)

        pltpu.sync_copy(cnt_v, counts_hbm.at[pl.ds(wid * N_CENT_PAD,
                                                   N_CENT_PAD)])

    return k(labels2d, zeros1d)


def _tc_mean_mlp(sums, counts3d, W1, b1, W2, b2):
    BLK = 1024
    BR = BLK // LPR
    grid = (-(-N_CENTERS // BLK),)
    inv_sqrt2 = 0.7071067811865476

    def gelu_exact(x):
        return 0.5 * x * (1.0 + lax.erf(x * inv_sqrt2))

    def body(s_ref, c_ref, w1_ref, b1_ref, w2_ref, b2_ref, o_ref):
        s = s_ref[0] + s_ref[1]
        c8 = jnp.sum(c_ref[...], axis=0)
        seg = lax.broadcasted_iota(jnp.int32, (BLK, LPR), 0)
        lane = lax.broadcasted_iota(jnp.int32, (BLK, LPR), 1)
        seg_r = lax.broadcasted_iota(jnp.int32, (BLK, BR), 0)
        sub = lax.broadcasted_iota(jnp.int32, (BLK, BR), 1)
        pick_row = (seg_r // LPR == sub).astype(jnp.float32)
        spread = jnp.dot(pick_row, c8, preferred_element_type=jnp.float32)
        c = jnp.sum(jnp.where(seg % LPR == lane, spread, 0.0),
                    axis=1, keepdims=True)
        mean = jnp.where(c > 0.0, s / jnp.maximum(c, 1.0), 0.0)
        h = jnp.dot(mean, w1_ref[...], preferred_element_type=jnp.float32)
        h = gelu_exact(h + b1_ref[...])
        o = jnp.dot(h, w2_ref[...], preferred_element_type=jnp.float32)
        o_ref[...] = gelu_exact(o + b2_ref[...])

    return pl.pallas_call(
        body,
        grid=grid,
        in_specs=[
            pl.BlockSpec((2, BLK, D_FEAT), lambda i: (0, i, 0)),
            pl.BlockSpec((NW, BR, LPR), lambda i: (0, i, 0)),
            pl.BlockSpec((D_FEAT, 300), lambda i: (0, 0)),
            pl.BlockSpec((1, 300), lambda i: (0, 0)),
            pl.BlockSpec((300, 300), lambda i: (0, 0)),
            pl.BlockSpec((1, 300), lambda i: (0, 0)),
        ],
        out_specs=pl.BlockSpec((BLK, 300), lambda i: (i, 0)),
        out_shape=jax.ShapeDtypeStruct((N_CENTERS, 300), jnp.float32),
    )(sums, counts3d, W1, b1, W2, b2)


@jax.jit
def _run(point_features, labels, cluster_centers, W1, b1, W2, b2):
    labels2d = labels.astype(jnp.int32).reshape(NROWS, LPR)
    labels2d = jnp.pad(labels2d, ((0, NROWS_PAD - NROWS), (0, 0)))
    labels1d = labels2d.reshape(NROWS_PAD * LPR)
    zeros = jnp.zeros((STRIPE, D_FEAT), jnp.float32)
    zeros1d = jnp.zeros((N_CENT_PAD,), jnp.float32)
    counts = _sc_segment_count(labels2d, zeros1d)
    sums = _sc_segment_sum(point_features, labels1d, zeros)
    sums = sums.reshape(NC, N_CENT_PAD, D_FEAT)
    counts3d = counts.reshape(NW, N_CENT_PAD // LPR, LPR)
    cr = counts3d.shape[1]
    counts3d = jnp.pad(counts3d, ((0, 0), (0, -cr % 8), (0, 0)))
    return _tc_mean_mlp(sums, counts3d, W1, b1.reshape(1, 300),
                        W2, b2.reshape(1, 300))


def kernel(point_features, labels, cluster_centers, training, W1, b1, W2, b2):
    return _run(point_features, labels, cluster_centers, W1, b1, W2, b2)

# --- scband reference (transcript-rebuilt; emitter-appended) ---
"""Pipeline reference for scband-mini-to-large-46961172414975 (READ-ONLY COPY).

The authoritative reference and input builder live on the scoring server;
editing this copy changes nothing except your own understanding.
"""

import jax, jax.numpy as jnp
import numpy as np

N_POINTS = 320000
N_CENTERS = 10000
D_FEAT = 128
H1 = 300
H2 = 300

def setup_inputs(seed: int = 0) -> dict:
    key = jax.random.key(seed)
    k1, k2, k3, k4, k5, k6, k7 = jax.random.split(key, 7)
    point_features = jax.random.normal(k1, (N_POINTS, D_FEAT), dtype=jnp.float32)
    labels = jnp.sort(jax.random.randint(k2, (N_POINTS,), 0, N_CENTERS)).astype(jnp.int64)
    cluster_centers = jax.random.normal(k3, (N_CENTERS, D_FEAT), dtype=jnp.float32)
    # MLP params: Dense(300, gelu) -> Dropout -> Dense(300, gelu) -> Dropout
    W1 = jax.random.normal(k4, (D_FEAT, H1), dtype=jnp.float32) * (1.0 / np.sqrt(D_FEAT))
    b1 = jnp.zeros((H1,), dtype=jnp.float32)
    W2 = jax.random.normal(k5, (H1, H2), dtype=jnp.float32) * (1.0 / np.sqrt(H1))
    b2 = jnp.zeros((H2,), dtype=jnp.float32)
    return {"point_features": point_features, "labels": labels,
            "cluster_centers": cluster_centers, "training": False,
            "W1": W1, "b1": b1, "W2": W2, "b2": b2}

def _segment_mean(data, segment_ids, num_segments):
    seg_sum = jax.ops.segment_sum(data, segment_ids, num_segments=num_segments)
    counts = jax.ops.segment_sum(jnp.ones((data.shape[0],), dtype=data.dtype),
                                 segment_ids, num_segments=num_segments)
    # TF unsorted_segment_mean returns 0 for empty segments
    safe = jnp.maximum(counts, 1.0)
    mean = seg_sum / safe[:, None]
    return jnp.where((counts > 0)[:, None], mean, 0.0)

def reference(point_features, labels, cluster_centers, training, W1, b1, W2, b2):
    num_centers = cluster_centers.shape[0]
    aggregated = _segment_mean(point_features, labels, num_centers)
    # MLP (dropout is identity at inference; training=False)
    h = jax.nn.gelu(aggregated @ W1 + b1, approximate=False)
    h = jax.nn.gelu(h @ W2 + b2, approximate=False)
    return h

if __name__ == "__main__":
    import jax
    _d = setup_inputs()
    print(jax.jit(kernel)(*tuple(_d.values())))

</pallas_src>

<mosaic_0001>
#map = affine_map<(d0, d1) -> (0, 0)>
#map1 = affine_map<(d0, d1) -> (0)>
module attributes {stable_mosaic.version = 14 : i64} {
  func.func @k(%arg0: i32, %arg1: i32, %arg2: memref<320000x128xf32, #tpu.memory_space<hbm>>, %arg3: memref<320512xi32, #tpu.memory_space<hbm>>, %arg4: memref<632x128xf32, #tpu.memory_space<hbm>>, %arg5: memref<20224x128xf32, #tpu.memory_space<hbm>>, %arg6: memref<128xi32, #tpu.memory_space<vmem>>, %arg7: memref<128xi32, #tpu.memory_space<vmem>>, %arg8: memref<128xi32, #tpu.memory_space<vmem>>, %arg9: memref<128x128xf32, #tpu.memory_space<vmem>>, %arg10: memref<128x128xf32, #tpu.memory_space<vmem>>, %arg11: memref<128x128xf32, #tpu.memory_space<vmem>>, %arg12: memref<10112x128xf32, #tpu.memory_space<vmem_shared>>, %arg13: memref<!tpu.dma_semaphore, #tpu.memory_space<semaphore_mem>>, %arg14: memref<!tpu.dma_semaphore, #tpu.memory_space<semaphore_mem>>, %arg15: memref<!tpu.dma_semaphore, #tpu.memory_space<semaphore_mem>>, %arg16: memref<!tpu.dma_semaphore, #tpu.memory_space<semaphore_mem>>, %arg17: memref<!tpu.dma_semaphore, #tpu.memory_space<semaphore_mem>>, %arg18: memref<!tpu.dma_semaphore, #tpu.memory_space<semaphore_mem>>, %arg19: memref<!tpu.dma_semaphore, #tpu.memory_space<semaphore_mem>>, %arg20: memref<!tpu.dma_semaphore, #tpu.memory_space<semaphore_mem>>, %arg21: memref<!tpu.dma_semaphore, #tpu.memory_space<semaphore_mem>>) attributes {dimension_semantics = [#tpu.dimension_semantics<core_parallel>, #tpu.dimension_semantics<subcore_parallel>], iteration_bounds = array<i64: 2, 16>, scalar_prefetch = 0 : i64, scratch_operands = 16 : i64, tpu.core_type = #tpu.core_type<sc_vector_subcore>, window_params = [{transform_indices = #map}, {transform_indices = #map1}, {transform_indices = #map}, {transform_indices = #map}]} {
    %mul3A = arith.constant 16 : i32
    %mul3A_0 = arith.muli %arg0, %mul3A : i32
    %add3A = arith.addi %mul3A_0, %arg1 : i32
    %mul3A_1 = arith.constant 632 : i32
    %mul3A_2 = arith.muli %arg1, %mul3A_1 : i32
    "tpu.region"() ({
      %run_scoped3A = tpu.sem_alloc : memref<!tpu.dma_semaphore, #tpu.memory_space<semaphore_mem>>
      %dma_start3A_155 = arith.constant 0 : i32
      %dma_start3A_156 = tpu.memref_slice %arg12[%mul3A_2, %dma_start3A_155] : memref<10112x128xf32, #tpu.memory_space<vmem_shared>> -> memref<632x128xf32, #tpu.memory_space<vmem_shared>>
      tpu.enqueue_dma source(%arg4 : memref<632x128xf32, #tpu.memory_space<hbm>>) target(%dma_start3A_156 : memref<632x128xf32, #tpu.memory_space<vmem_shared>>) target_semaphore(%run_scoped3A : memref<!tpu.dma_semaphore, #tpu.memory_space<semaphore_mem>>)
      %dma_wait3A = arith.constant 0 : i32
      %dma_wait3A_157 = tpu.memref_slice %arg12[%mul3A_2, %dma_wait3A] : memref<10112x128xf32, #tpu.memory_space<vmem_shared>> -> memref<632x128xf32, #tpu.memory_space<vmem_shared>>
      tpu.wait_dma2 semaphore(%run_scoped3A : memref<!tpu.dma_semaphore, #tpu.memory_space<semaphore_mem>>) src(%arg4 : memref<632x128xf32, #tpu.memory_space<hbm>>) dst(%dma_wait3A_157 : memref<632x128xf32, #tpu.memory_space<vmem_shared>>)
      tpu.yield
    }) : () -> ()
    %mul3A_3 = arith.constant 313 : i32
    %mul3A_4 = arith.muli %add3A, %mul3A_3 : i32
    %jit3A = arith.constant 32 : i32
    %div3A = arith.divsi %mul3A_4, %jit3A : i32
    %sign3A = arith.constant 0 : i32
    %sign3A_5 = arith.cmpi sgt, %mul3A_4, %sign3A : i32
    %sign3A_6 = arith.extui %sign3A_5 : i1 to i32
    %sign3A_7 = arith.constant 0 : i32
    %sign3A_8 = arith.cmpi slt, %mul3A_4, %sign3A_7 : i32
    %sign3A_9 = arith.extui %sign3A_8 : i1 to i32
    %sign3A_10 = arith.subi %sign3A_6, %sign3A_9 : i32
    %sign3A_11 = arith.constant 0 : i32
    %sign3A_12 = arith.cmpi sgt, %jit3A, %sign3A_11 : i32
    %sign3A_13 = arith.extui %sign3A_12 : i1 to i32
    %sign3A_14 = arith.constant 0 : i32
    %sign3A_15 = arith.cmpi slt, %jit3A, %sign3A_14 : i32
    %sign3A_16 = arith.extui %sign3A_15 : i1 to i32
    %sign3A_17 = arith.subi %sign3A_13, %sign3A_16 : i32
    %ne3A = arith.cmpi ne, %sign3A_10, %sign3A_17 : i32
    %rem3A = arith.remsi %mul3A_4, %jit3A : i32
    %ne3A_18 = arith.constant 0 : i32
    %ne3A_19 = arith.cmpi ne, %rem3A, %ne3A_18 : i32
    %and3A = arith.andi %ne3A, %ne3A_19 : i1
    %sub3A = arith.constant 1 : i32
    %sub3A_20 = arith.subi %div3A, %sub3A : i32
    %select_n3A = arith.select %and3A, %sub3A_20, %div3A : i32
    %add3A_21 = arith.constant 1 : i32
    %add3A_22 = arith.addi %add3A, %add3A_21 : i32
    %mul3A_23 = arith.constant 313 : i32
    %mul3A_24 = arith.muli %add3A_22, %mul3A_23 : i32
    %jit3A_25 = arith.constant 32 : i32
    %div3A_26 = arith.divsi %mul3A_24, %jit3A_25 : i32
    %sign3A_27 = arith.constant 0 : i32
    %sign3A_28 = arith.cmpi sgt, %mul3A_24, %sign3A_27 : i32
    %sign3A_29 = arith.extui %sign3A_28 : i1 to i32
    %sign3A_30 = arith.constant 0 : i32
    %sign3A_31 = arith.cmpi slt, %mul3A_24, %sign3A_30 : i32
    %sign3A_32 = arith.extui %sign3A_31 : i1 to i32
    %sign3A_33 = arith.subi %sign3A_29, %sign3A_32 : i32
    %sign3A_34 = arith.constant 0 : i32
    %sign3A_35 = arith.cmpi sgt, %jit3A_25, %sign3A_34 : i32
    %sign3A_36 = arith.extui %sign3A_35 : i1 to i32
    %sign3A_37 = arith.constant 0 : i32
    %sign3A_38 = arith.cmpi slt, %jit3A_25, %sign3A_37 : i32
    %sign3A_39 = arith.extui %sign3A_38 : i1 to i32
    %sign3A_40 = arith.subi %sign3A_36, %sign3A_39 : i32
    %ne3A_41 = arith.cmpi ne, %sign3A_33, %sign3A_40 : i32
    %rem3A_42 = arith.remsi %mul3A_24, %jit3A_25 : i32
    %ne3A_43 = arith.constant 0 : i32
    %ne3A_44 = arith.cmpi ne, %rem3A_42, %ne3A_43 : i32
    %and3A_45 = arith.andi %ne3A_41, %ne3A_44 : i1
    %sub3A_46 = arith.constant 1 : i32
    %sub3A_47 = arith.subi %div3A_26, %sub3A_46 : i32
    %select_n3A_48 = arith.select %and3A_45, %sub3A_47, %div3A_26 : i32
    %mul3A_49 = arith.constant 8 : i32
    %mul3A_50 = arith.muli %mul3A_49, %select_n3A : i32
    %mul3A_51 = arith.constant 8 : i32
    %mul3A_52 = arith.muli %mul3A_51, %select_n3A_48 : i32
    %min3A = arith.constant 2500 : i32
    %min3A_53 = arith.minsi %mul3A_52, %min3A : i32
    %sub3A_54 = arith.subi %min3A_53, %mul3A_50 : i32
    %barrier3A = arith.constant 0 : index
    tpu.barrier barrier_id(%barrier3A)
    %add3A_55 = arith.constant 0 : i32
    %add3A_56 = arith.addi %mul3A_50, %add3A_55 : i32
    %min3A_57 = arith.constant 2499 : i32
    %min3A_58 = arith.minsi %add3A_56, %min3A_57 : i32
    %mul3A_59 = arith.constant 128 : i32
    %mul3A_60 = arith.muli %min3A_58, %mul3A_59 : i32
    %dma_start3A = tpu.memref_slice %arg3[%mul3A_60] : memref<320512xi32, #tpu.memory_space<hbm>> -> memref<128xi32, #tpu.memory_space<hbm>>
    %dma_start3A_61 = tpu.memref_slice %arg3[%mul3A_60] : memref<320512xi32, #tpu.memory_space<hbm>> -> memref<128xi32, #tpu.memory_space<hbm>>
    tpu.enqueue_dma source(%dma_start3A_61 : memref<128xi32, #tpu.memory_space<hbm>>) target(%arg6 : memref<128xi32, #tpu.memory_space<vmem>>) target_semaphore(%arg13 : memref<!tpu.dma_semaphore, #tpu.memory_space<semaphore_mem>>)
    %mul3A_62 = arith.constant 128 : i32
    %mul3A_63 = arith.muli %min3A_58, %mul3A_62 : i32
    %dma_start3A_64 = arith.constant 0 : i32
    %dma_start3A_65 = tpu.memref_slice %arg2[%mul3A_63, %dma_start3A_64] : memref<320000x128xf32, #tpu.memory_space<hbm>> -> memref<128x128xf32, #tpu.memory_space<hbm>>
    %dma_start3A_66 = arith.constant 0 : i32
    %dma_start3A_67 = tpu.memref_slice %arg2[%mul3A_63, %dma_start3A_66] : memref<320000x128xf32, #tpu.memory_space<hbm>> -> memref<128x128xf32, #tpu.memory_space<hbm>>
    tpu.enqueue_dma source(%dma_start3A_67 : memref<128x128xf32, #tpu.memory_space<hbm>>) target(%arg9 : memref<128x128xf32, #tpu.memory_space<vmem>>) target_semaphore(%arg16 : memref<!tpu.dma_semaphore, #tpu.memory_space<semaphore_mem>>)
    %add3A_68 = arith.constant 1 : i32
    %add3A_69 = arith.addi %mul3A_50, %add3A_68 : i32
    %min3A_70 = arith.constant 2499 : i32
    %min3A_71 = arith.minsi %add3A_69, %min3A_70 : i32
    %mul3A_72 = arith.constant 128 : i32
    %mul3A_73 = arith.muli %min3A_71, %mul3A_72 : i32
    %dma_start3A_74 = tpu.memref_slice %arg3[%mul3A_73] : memref<320512xi32, #tpu.memory_space<hbm>> -> memref<128xi32, #tpu.memory_space<hbm>>
    %dma_start3A_75 = tpu.memref_slice %arg3[%mul3A_73] : memref<320512xi32, #tpu.memory_space<hbm>> -> memref<128xi32, #tpu.memory_space<hbm>>
    tpu.enqueue_dma source(%dma_start3A_75 : memref<128xi32, #tpu.memory_space<hbm>>) target(%arg7 : memref<128xi32, #tpu.memory_space<vmem>>) target_semaphore(%arg14 : memref<!tpu.dma_semaphore, #tpu.memory_space<semaphore_mem>>)
    %mul3A_76 = arith.constant 128 : i32
    %mul3A_77 = arith.muli %min3A_71, %mul3A_76 : i32
    %dma_start3A_78 = arith.constant 0 : i32
    %dma_start3A_79 = tpu.memref_slice %arg2[%mul3A_77, %dma_start3A_78] : memref<320000x128xf32, #tpu.memory_space<hbm>> -> memref<128x128xf32, #tpu.memory_space<hbm>>
    %dma_start3A_80 = arith.constant 0 : i32
    %dma_start3A_81 = tpu.memref_slice %arg2[%mul3A_77, %dma_start3A_80] : memref<320000x128xf32, #tpu.memory_space<hbm>> -> memref<128x128xf32, #tpu.memory_space<hbm>>
    tpu.enqueue_dma source(%dma_start3A_81 : memref<128x128xf32, #tpu.memory_space<hbm>>) target(%arg10 : memref<128x128xf32, #tpu.memory_space<vmem>>) target_semaphore(%arg17 : memref<!tpu.dma_semaphore, #tpu.memory_space<semaphore_mem>>)
    %jit3A_82 = arith.constant 3 : i32
    %div3A_83 = arith.divsi %sub3A_54, %jit3A_82 : i32
    %sign3A_84 = arith.constant 0 : i32
    %sign3A_85 = arith.cmpi sgt, %sub3A_54, %sign3A_84 : i32
    %sign3A_86 = arith.extui %sign3A_85 : i1 to i32
    %sign3A_87 = arith.constant 0 : i32
    %sign3A_88 = arith.cmpi slt, %sub3A_54, %sign3A_87 : i32
    %sign3A_89 = arith.extui %sign3A_88 : i1 to i32
    %sign3A_90 = arith.subi %sign3A_86, %sign3A_89 : i32
    %sign3A_91 = arith.constant 0 : i32
    %sign3A_92 = arith.cmpi sgt, %jit3A_82, %sign3A_91 : i32
    %sign3A_93 = arith.extui %sign3A_92 : i1 to i32
    %sign3A_94 = arith.constant 0 : i32
    %sign3A_95 = arith.cmpi slt, %jit3A_82, %sign3A_94 : i32
    %sign3A_96 = arith.extui %sign3A_95 : i1 to i32
    %sign3A_97 = arith.subi %sign3A_93, %sign3A_96 : i32
    %ne3A_98 = arith.cmpi ne, %sign3A_90, %sign3A_97 : i32
    %rem3A_99 = arith.remsi %sub3A_54, %jit3A_82 : i32
    %ne3A_100 = arith.constant 0 : i32
    %ne3A_101 = arith.cmpi ne, %rem3A_99, %ne3A_100 : i32
    %and3A_102 = arith.andi %ne3A_98, %ne3A_101 : i1
    %sub3A_103 = arith.constant 1 : i32
    %sub3A_104 = arith.subi %div3A_83, %sub3A_103 : i32
    %select_n3A_105 = arith.select %and3A_102, %sub3A_104, %div3A_83 : i32
    %mul3A_106 = arith.constant 3 : i32
    %mul3A_107 = arith.muli %mul3A_106, %select_n3A_105 : i32
    %sub3A_108 = arith.subi %sub3A_54, %mul3A_107 : i32
    %while3A = arith.constant 0 : i32
    %while3A_109 = arith.subi %select_n3A_105, %while3A : i32
    %while3A_110 = arith.addi %while3A, %while3A_109 : i32
    %while3A_111 = arith.constant 1 : i32
    %while3A_112 = arith.divsi %while3A_109, %while3A_111 : i32
    %while3A_113 = arith.muli %while3A_112, %while3A_111 : i32
    %while3A_114 = arith.addi %while3A, %while3A_113 : i32
    %while3A_115 = arith.constant 1 : i32
    scf.for %while3A_155 = %while3A to %while3A_114 step %while3A_115  : i32 {
      %mul3A_156 = arith.constant 3 : i32
      %mul3A_157 = arith.muli %mul3A_156, %while3A_155 : i32
      %dma_wait3A = arith.constant 0 : i32
      %dma_wait3A_158 = tpu.memref_slice %arg3[%dma_wait3A] : memref<320512xi32, #tpu.memory_space<hbm>> -> memref<128xi32, #tpu.memory_space<hbm>>
      %dma_wait3A_159 = arith.constant 0 : i32
      %dma_wait3A_160 = tpu.memref_slice %arg3[%dma_wait3A_159] : memref<320512xi32, #tpu.memory_space<hbm>> -> memref<128xi32, #tpu.memory_space<hbm>>
      tpu.wait_dma2 semaphore(%arg13 : memref<!tpu.dma_semaphore, #tpu.memory_space<semaphore_mem>>) src(%dma_wait3A_160 : memref<128xi32, #tpu.memory_space<hbm>>) dst(%arg6 : memref<128xi32, #tpu.memory_space<vmem>>)
      %dma_wait3A_161 = arith.constant 0 : i32
      %dma_wait3A_162 = arith.constant 0 : i32
      %dma_wait3A_163 = tpu.memref_slice %arg2[%dma_wait3A_161, %dma_wait3A_162] : memref<320000x128xf32, #tpu.memory_space<hbm>> -> memref<128x128xf32, #tpu.memory_space<hbm>>
      %dma_wait3A_164 = arith.constant 0 : i32
      %dma_wait3A_165 = arith.constant 0 : i32
      %dma_wait3A_166 = tpu.memref_slice %arg2[%dma_wait3A_164, %dma_wait3A_165] : memref<320000x128xf32, #tpu.memory_space<hbm>> -> memref<128x128xf32, #tpu.memory_space<hbm>>
      tpu.wait_dma2 semaphore(%arg16 : memref<!tpu.dma_semaphore, #tpu.memory_space<semaphore_mem>>) src(%dma_wait3A_166 : memref<128x128xf32, #tpu.memory_space<hbm>>) dst(%arg9 : memref<128x128xf32, #tpu.memory_space<vmem>>)
      %dma_start3A_167 = arith.constant 0 : i32
      %dma_start3A_168 = arith.constant 0 : i32
      %dma_start3A_169 = tpu.memref_slice %arg12[%dma_start3A_167, %dma_start3A_168] : memref<10112x128xf32, #tpu.memory_space<vmem_shared>> -> memref<10112x128xf32, #tpu.memory_space<vmem_shared>>
      tpu.enqueue_indirect_dma source(%arg9 : memref<128x128xf32, #tpu.memory_space<vmem>>) target(%dma_start3A_169 : memref<10112x128xf32, #tpu.memory_space<vmem_shared>>) offsets(%arg6 : memref<128xi32, #tpu.memory_space<vmem>>) semaphore(%arg19 : memref<!tpu.dma_semaphore, #tpu.memory_space<semaphore_mem>>) {add = true}
      %gt3A_170 = arith.constant 0 : i32
      %gt3A_171 = arith.cmpi sgt, %while3A_155, %gt3A_170 : i32
      %convert_element_type3A_172 = arith.extui %gt3A_171 : i1 to i32
      %cond3A_173 = arith.constant 0 : i32
      %cond3A_174 = arith.cmpi ne, %convert_element_type3A_172, %cond3A_173 : i32
      scf.if %cond3A_174 {
        %dma_wait3A_256 = arith.constant 0 : i32
        %dma_wait3A_257 = arith.constant 0 : i32
        %dma_wait3A_258 = tpu.memref_slice %arg12[%dma_wait3A_256, %dma_wait3A_257] : memref<10112x128xf32, #tpu.memory_space<vmem_shared>> -> memref<10112x128xf32, #tpu.memory_space<vmem_shared>>
        tpu.wait_indirect_dma semaphore(%arg21 : memref<!tpu.dma_semaphore, #tpu.memory_space<semaphore_mem>>) src(%arg11 : memref<128x128xf32, #tpu.memory_space<vmem>>) dst(%dma_wait3A_258 : memref<10112x128xf32, #tpu.memory_space<vmem_shared>>)
      } else {
      }
      %add3A_175 = arith.constant 2 : i32
      %add3A_176 = arith.addi %mul3A_157, %add3A_175 : i32
      %add3A_177 = arith.addi %mul3A_50, %add3A_176 : i32
      %min3A_178 = arith.constant 2499 : i32
      %min3A_179 = arith.minsi %add3A_177, %min3A_178 : i32
      %mul3A_180 = arith.constant 128 : i32
      %mul3A_181 = arith.muli %min3A_179, %mul3A_180 : i32
      %dma_start3A_182 = tpu.memref_slice %arg3[%mul3A_181] : memref<320512xi32, #tpu.memory_space<hbm>> -> memref<128xi32, #tpu.memory_space<hbm>>
      %dma_start3A_183 = tpu.memref_slice %arg3[%mul3A_181] : memref<320512xi32, #tpu.memory_space<hbm>> -> memref<128xi32, #tpu.memory_space<hbm>>
      tpu.enqueue_dma source(%dma_start3A_183 : memref<128xi32, #tpu.memory_space<hbm>>) target(%arg8 : memref<128xi32, #tpu.memory_space<vmem>>) target_semaphore(%arg15 : memref<!tpu.dma_semaphore, #tpu.memory_space<semaphore_mem>>)
      %mul3A_184 = arith.constant 128 : i32
      %mul3A_185 = arith.muli %min3A_179, %mul3A_184 : i32
      %dma_start3A_186 = arith.constant 0 : i32
      %dma_start3A_187 = tpu.memref_slice %arg2[%mul3A_185, %dma_start3A_186] : memref<320000x128xf32, #tpu.memory_space<hbm>> -> memref<128x128xf32, #tpu.memory_space<hbm>>
      %dma_start3A_188 = arith.constant 0 : i32
      %dma_start3A_189 = tpu.memref_slice %arg2[%mul3A_185, %dma_start3A_188] : memref<320000x128xf32, #tpu.memory_space<hbm>> -> memref<128x128xf32, #tpu.memory_space<hbm>>
      tpu.enqueue_dma source(%dma_start3A_189 : memref<128x128xf32, #tpu.memory_space<hbm>>) target(%arg11 : memref<128x128xf32, #tpu.memory_space<vmem>>) target_semaphore(%arg18 : memref<!tpu.dma_semaphore, #tpu.memory_space<semaphore_mem>>)
      %add3A_190 = arith.constant 1 : i32
      %add3A_191 = arith.addi %mul3A_157, %add3A_190 : i32
      %dma_wait3A_192 = arith.constant 0 : i32
      %dma_wait3A_193 = tpu.memref_slice %arg3[%dma_wait3A_192] : memref<320512xi32, #tpu.memory_space<hbm>> -> memref<128xi32, #tpu.memory_space<hbm>>
      %dma_wait3A_194 = arith.constant 0 : i32
      %dma_wait3A_195 = tpu.memref_slice %arg3[%dma_wait3A_194] : memref<320512xi32, #tpu.memory_space<hbm>> -> memref<128xi32, #tpu.memory_space<hbm>>
      tpu.wait_dma2 semaphore(%arg14 : memref<!tpu.dma_semaphore, #tpu.memory_space<semaphore_mem>>) src(%dma_wait3A_195 : memref<128xi32, #tpu.memory_space<hbm>>) dst(%arg7 : memref<128xi32, #tpu.memory_space<vmem>>)
      %dma_wait3A_196 = arith.constant 0 : i32
      %dma_wait3A_197 = arith.constant 0 : i32
      %dma_wait3A_198 = tpu.memref_slice %arg2[%dma_wait3A_196, %dma_wait3A_197] : memref<320000x128xf32, #tpu.memory_space<hbm>> -> memref<128x128xf32, #tpu.memory_space<hbm>>
      %dma_wait3A_199 = arith.constant 0 : i32
      %dma_wait3A_200 = arith.constant 0 : i32
      %dma_wait3A_201 = tpu.memref_slice %arg2[%dma_wait3A_199, %dma_wait3A_200] : memref<320000x128xf32, #tpu.memory_space<hbm>> -> memref<128x128xf32, #tpu.memory_space<hbm>>
      tpu.wait_dma2 semaphore(%arg17 : memref<!tpu.dma_semaphore, #tpu.memory_space<semaphore_mem>>) src(%dma_wait3A_201 : memref<128x128xf32, #tpu.memory_space<hbm>>) dst(%arg10 : memref<128x128xf32, #tpu.memory_space<vmem>>)
      %dma_start3A_202 = arith.constant 0 : i32
      %dma_start3A_203 = arith.constant 0 : i32
      %dma_start3A_204 = tpu.memref_slice %arg12[%dma_start3A_202, %dma_start3A_203] : memref<10112x128xf32, #tpu.memory_space<vmem_shared>> -> memref<10112x128xf32, #tpu.memory_space<vmem_shared>>
      tpu.enqueue_indirect_dma source(%arg10 : memref<128x128xf32, #tpu.memory_space<vmem>>) target(%dma_start3A_204 : memref<10112x128xf32, #tpu.memory_space<vmem_shared>>) offsets(%arg7 : memref<128xi32, #tpu.memory_space<vmem>>) semaphore(%arg20 : memref<!tpu.dma_semaphore, #tpu.memory_space<semaphore_mem>>) {add = true}
      %dma_wait3A_205 = arith.constant 0 : i32
      %dma_wait3A_206 = arith.constant 0 : i32
      %dma_wait3A_207 = tpu.memref_slice %arg12[%dma_wait3A_205, %dma_wait3A_206] : memref<10112x128xf32, #tpu.memory_space<vmem_shared>> -> memref<10112x128xf32, #tpu.memory_space<vmem_shared>>
      tpu.wait_indirect_dma semaphore(%arg19 : memref<!tpu.dma_semaphore, #tpu.memory_space<semaphore_mem>>) src(%arg9 : memref<128x128xf32, #tpu.memory_space<vmem>>) dst(%dma_wait3A_207 : memref<10112x128xf32, #tpu.memory_space<vmem_shared>>)
      %add3A_208 = arith.constant 2 : i32
      %add3A_209 = arith.addi %add3A_191, %add3A_208 : i32
      %add3A_210 = arith.addi %mul3A_50, %add3A_209 : i32
      %min3A_211 = arith.constant 2499 : i32
      %min3A_212 = arith.minsi %add3A_210, %min3A_211 : i32
      %mul3A_213 = arith.constant 128 : i32
      %mul3A_214 = arith.muli %min3A_212, %mul3A_213 : i32
      %dma_start3A_215 = tpu.memref_slice %arg3[%mul3A_214] : memref<320512xi32, #tpu.memory_space<hbm>> -> memref<128xi32, #tpu.memory_space<hbm>>
      %dma_start3A_216 = tpu.memref_slice %arg3[%mul3A_214] : memref<320512xi32, #tpu.memory_space<hbm>> -> memref<128xi32, #tpu.memory_space<hbm>>
      tpu.enqueue_dma source(%dma_start3A_216 : memref<128xi32, #tpu.memory_space<hbm>>) target(%arg6 : memref<128xi32, #tpu.memory_space<vmem>>) target_semaphore(%arg13 : memref<!tpu.dma_semaphore, #tpu.memory_space<semaphore_mem>>)
      %mul3A_217 = arith.constant 128 : i32
      %mul3A_218 = arith.muli %min3A_212, %mul3A_217 : i32
      %dma_start3A_219 = arith.constant 0 : i32
      %dma_start3A_220 = tpu.memref_slice %arg2[%mul3A_218, %dma_start3A_219] : memref<320000x128xf32, #tpu.memory_space<hbm>> -> memref<128x128xf32, #tpu.memory_space<hbm>>
      %dma_start3A_221 = arith.constant 0 : i32
      %dma_start3A_222 = tpu.memref_slice %arg2[%mul3A_218, %dma_start3A_221] : memref<320000x128xf32, #tpu.memory_space<hbm>> -> memref<128x128xf32, #tpu.memory_space<hbm>>
      tpu.enqueue_dma source(%dma_start3A_222 : memref<128x128xf32, #tpu.memory_space<hbm>>) target(%arg9 : memref<128x128xf32, #tpu.memory_space<vmem>>) target_semaphore(%arg16 : memref<!tpu.dma_semaphore, #tpu.memory_space<semaphore_mem>>)
      %add3A_223 = arith.constant 2 : i32
      %add3A_224 = arith.addi %mul3A_157, %add3A_223 : i32
      %dma_wait3A_225 = arith.constant 0 : i32
      %dma_wait3A_226 = tpu.memref_slice %arg3[%dma_wait3A_225] : memref<320512xi32, #tpu.memory_space<hbm>> -> memref<128xi32, #tpu.memory_space<hbm>>
      %dma_wait3A_227 = arith.constant 0 : i32
      %dma_wait3A_228 = tpu.memref_slice %arg3[%dma_wait3A_227] : memref<320512xi32, #tpu.memory_space<hbm>> -> memref<128xi32, #tpu.memory_space<hbm>>
      tpu.wait_dma2 semaphore(%arg15 : memref<!tpu.dma_semaphore, #tpu.memory_space<semaphore_mem>>) src(%dma_wait3A_228 : memref<128xi32, #tpu.memory_space<hbm>>) dst(%arg8 : memref<128xi32, #tpu.memory_space<vmem>>)
      %dma_wait3A_229 = arith.constant 0 : i32
      %dma_wait3A_230 = arith.constant 0 : i32
      %dma_wait3A_231 = tpu.memref_slice %arg2[%dma_wait3A_229, %dma_wait3A_230] : memref<320000x128xf32, #tpu.memory_space<hbm>> -> memref<128x128xf32, #tpu.memory_space<hbm>>
      %dma_wait3A_232 = arith.constant 0 : i32
      %dma_wait3A_233 = arith.constant 0 : i32
      %dma_wait3A_234 = tpu.memref_slice %arg2[%dma_wait3A_232, %dma_wait3A_233] : memref<320000x128xf32, #tpu.memory_space<hbm>> -> memref<128x128xf32, #tpu.memory_space<hbm>>
      tpu.wait_dma2 semaphore(%arg18 : memref<!tpu.dma_semaphore, #tpu.memory_space<semaphore_mem>>) src(%dma_wait3A_234 : memref<128x128xf32, #tpu.memory_space<hbm>>) dst(%arg11 : memref<128x128xf32, #tpu.memory_space<vmem>>)
      %dma_start3A_235 = arith.constant 0 : i32
      %dma_start3A_236 = arith.constant 0 : i32
      %dma_start3A_237 = tpu.memref_slice %arg12[%dma_start3A_235, %dma_start3A_236] : memref<10112x128xf32, #tpu.memory_space<vmem_shared>> -> memref<10112x128xf32, #tpu.memory_space<vmem_shared>>
      tpu.enqueue_indirect_dma source(%arg11 : memref<128x128xf32, #tpu.memory_space<vmem>>) target(%dma_start3A_237 : memref<10112x128xf32, #tpu.memory_space<vmem_shared>>) offsets(%arg8 : memref<128xi32, #tpu.memory_space<vmem>>) semaphore(%arg21 : memref<!tpu.dma_semaphore, #tpu.memory_space<semaphore_mem>>) {add = true}
      %dma_wait3A_238 = arith.constant 0 : i32
      %dma_wait3A_239 = arith.constant 0 : i32
      %dma_wait3A_240 = tpu.memref_slice %arg12[%dma_wait3A_238, %dma_wait3A_239] : memref<10112x128xf32, #tpu.memory_space<vmem_shared>> -> memref<10112x128xf32, #tpu.memory_space<vmem_shared>>
      tpu.wait_indirect_dma semaphore(%arg20 : memref<!tpu.dma_semaphore, #tpu.memory_space<semaphore_mem>>) src(%arg10 : memref<128x128xf32, #tpu.memory_space<vmem>>) dst(%dma_wait3A_240 : memref<10112x128xf32, #tpu.memory_space<vmem_shared>>)
      %add3A_241 = arith.constant 2 : i32
      %add3A_242 = arith.addi %add3A_224, %add3A_241 : i32
      %add3A_243 = arith.addi %mul3A_50, %add3A_242 : i32
      %min3A_244 = arith.constant 2499 : i32
      %min3A_245 = arith.minsi %add3A_243, %min3A_244 : i32
      %mul3A_246 = arith.constant 128 : i32
      %mul3A_247 = arith.muli %min3A_245, %mul3A_246 : i32
      %dma_start3A_248 = tpu.memref_slice %arg3[%mul3A_247] : memref<320512xi32, #tpu.memory_space<hbm>> -> memref<128xi32, #tpu.memory_space<hbm>>
      %dma_start3A_249 = tpu.memref_slice %arg3[%mul3A_247] : memref<320512xi32, #tpu.memory_space<hbm>> -> memref<128xi32, #tpu.memory_space<hbm>>
      tpu.enqueue_dma source(%dma_start3A_249 : memref<128xi32, #tpu.memory_space<hbm>>) target(%arg7 : memref<128xi32, #tpu.memory_space<vmem>>) target_semaphore(%arg14 : memref<!tpu.dma_semaphore, #tpu.memory_space<semaphore_mem>>)
      %mul3A_250 = arith.constant 128 : i32
      %mul3A_251 = arith.muli %min3A_245, %mul3A_250 : i32
      %dma_start3A_252 = arith.constant 0 : i32
      %dma_start3A_253 = tpu.memref_slice %arg2[%mul3A_251, %dma_start3A_252] : memref<320000x128xf32, #tpu.memory_space<hbm>> -> memref<128x128xf32, #tpu.memory_space<hbm>>
      %dma_start3A_254 = arith.constant 0 : i32
      %dma_start3A_255 = tpu.memref_slice %arg2[%mul3A_251, %dma_start3A_254] : memref<320000x128xf32, #tpu.memory_space<hbm>> -> memref<128x128xf32, #tpu.memory_space<hbm>>
      tpu.enqueue_dma source(%dma_start3A_255 : memref<128x128xf32, #tpu.memory_space<hbm>>) target(%arg10 : memref<128x128xf32, #tpu.memory_space<vmem>>) target_semaphore(%arg17 : memref<!tpu.dma_semaphore, #tpu.memory_space<semaphore_mem>>)
    }
    %while3A_116 = arith.constant 1 : i32
    scf.for %while3A_155 = %while3A_114 to %while3A_110 step %while3A_116  : i32 {
      %mul3A_156 = arith.constant 3 : i32
      %mul3A_157 = arith.muli %mul3A_156, %while3A_155 : i32
      %dma_wait3A = arith.constant 0 : i32
      %dma_wait3A_158 = tpu.memref_slice %arg3[%dma_wait3A] : memref<320512xi32, #tpu.memory_space<hbm>> -> memref<128xi32, #tpu.memory_space<hbm>>
      %dma_wait3A_159 = arith.constant 0 : i32
      %dma_wait3A_160 = tpu.memref_slice %arg3[%dma_wait3A_159] : memref<320512xi32, #tpu.memory_space<hbm>> -> memref<128xi32, #tpu.memory_space<hbm>>
      tpu.wait_dma2 semaphore(%arg13 : memref<!tpu.dma_semaphore, #tpu.memory_space<semaphore_mem>>) src(%dma_wait3A_160 : memref<128xi32, #tpu.memory_space<hbm>>) dst(%arg6 : memref<128xi32, #tpu.memory_space<vmem>>)
      %dma_wait3A_161 = arith.constant 0 : i32
      %dma_wait3A_162 = arith.constant 0 : i32
      %dma_wait3A_163 = tpu.memref_slice %arg2[%dma_wait3A_161, %dma_wait3A_162] : memref<320000x128xf32, #tpu.memory_space<hbm>> -> memref<128x128xf32, #tpu.memory_space<hbm>>
      %dma_wait3A_164 = arith.constant 0 : i32
      %dma_wait3A_165 = arith.constant 0 : i32
      %dma_wait3A_166 = tpu.memref_slice %arg2[%dma_wait3A_164, %dma_wait3A_165] : memref<320000x128xf32, #tpu.memory_space<hbm>> -> memref<128x128xf32, #tpu.memory_space<hbm>>
      tpu.wait_dma2 semaphore(%arg16 : memref<!tpu.dma_semaphore, #tpu.memory_space<semaphore_mem>>) src(%dma_wait3A_166 : memref<128x128xf32, #tpu.memory_space<hbm>>) dst(%arg9 : memref<128x128xf32, #tpu.memory_space<vmem>>)
      %dma_start3A_167 = arith.constant 0 : i32
      %dma_start3A_168 = arith.constant 0 : i32
      %dma_start3A_169 = tpu.memref_slice %arg12[%dma_start3A_167, %dma_start3A_168] : memref<10112x128xf32, #tpu.memory_space<vmem_shared>> -> memref<10112x128xf32, #tpu.memory_space<vmem_shared>>
      tpu.enqueue_indirect_dma source(%arg9 : memref<128x128xf32, #tpu.memory_space<vmem>>) target(%dma_start3A_169 : memref<10112x128xf32, #tpu.memory_space<vmem_shared>>) offsets(%arg6 : memref<128xi32, #tpu.memory_space<vmem>>) semaphore(%arg19 : memref<!tpu.dma_semaphore, #tpu.memory_space<semaphore_mem>>) {add = true}
      %gt3A_170 = arith.constant 0 : i32
      %gt3A_171 = arith.cmpi sgt, %while3A_155, %gt3A_170 : i32
      %convert_element_type3A_172 = arith.extui %gt3A_171 : i1 to i32
      %cond3A_173 = arith.constant 0 : i32
      %cond3A_174 = arith.cmpi ne, %convert_element_type3A_172, %cond3A_173 : i32
      scf.if %cond3A_174 {
        %dma_wait3A_256 = arith.constant 0 : i32
        %dma_wait3A_257 = arith.constant 0 : i32
        %dma_wait3A_258 = tpu.memref_slice %arg12[%dma_wait3A_256, %dma_wait3A_257] : memref<10112x128xf32, #tpu.memory_space<vmem_shared>> -> memref<10112x128xf32, #tpu.memory_space<vmem_shared>>
        tpu.wait_indirect_dma semaphore(%arg21 : memref<!tpu.dma_semaphore, #tpu.memory_space<semaphore_mem>>) src(%arg11 : memref<128x128xf32, #tpu.memory_space<vmem>>) dst(%dma_wait3A_258 : memref<10112x128xf32, #tpu.memory_space<vmem_shared>>)
      } else {
      }
      %add3A_175 = arith.constant 2 : i32
      %add3A_176 = arith.addi %mul3A_157, %add3A_175 : i32
      %add3A_177 = arith.addi %mul3A_50, %add3A_176 : i32
      %min3A_178 = arith.constant 2499 : i32
      %min3A_179 = arith.minsi %add3A_177, %min3A_178 : i32
      %mul3A_180 = arith.constant 128 : i32
      %mul3A_181 = arith.muli %min3A_179, %mul3A_180 : i32
      %dma_start3A_182 = tpu.memref_slice %arg3[%mul3A_181] : memref<320512xi32, #tpu.memory_space<hbm>> -> memref<128xi32, #tpu.memory_space<hbm>>
      %dma_start3A_183 = tpu.memref_slice %arg3[%mul3A_181] : memref<320512xi32, #tpu.memory_space<hbm>> -> memref<128xi32, #tpu.memory_space<hbm>>
      tpu.enqueue_dma source(%dma_start3A_183 : memref<128xi32, #tpu.memory_space<hbm>>) target(%arg8 : memref<128xi32, #tpu.memory_space<vmem>>) target_semaphore(%arg15 : memref<!tpu.dma_semaphore, #tpu.memory_space<semaphore_mem>>)
      %mul3A_184 = arith.constant 128 : i32
      %mul3A_185 = arith.muli %min3A_179, %mul3A_184 : i32
      %dma_start3A_186 = arith.constant 0 : i32
      %dma_start3A_187 = tpu.memref_slice %arg2[%mul3A_185, %dma_start3A_186] : memref<320000x128xf32, #tpu.memory_space<hbm>> -> memref<128x128xf32, #tpu.memory_space<hbm>>
      %dma_start3A_188 = arith.constant 0 : i32
      %dma_start3A_189 = tpu.memref_slice %arg2[%mul3A_185, %dma_start3A_188] : memref<320000x128xf32, #tpu.memory_space<hbm>> -> memref<128x128xf32, #tpu.memory_space<hbm>>
      tpu.enqueue_dma source(%dma_start3A_189 : memref<128x128xf32, #tpu.memory_space<hbm>>) target(%arg11 : memref<128x128xf32, #tpu.memory_space<vmem>>) target_semaphore(%arg18 : memref<!tpu.dma_semaphore, #tpu.memory_space<semaphore_mem>>)
      %add3A_190 = arith.constant 1 : i32
      %add3A_191 = arith.addi %mul3A_157, %add3A_190 : i32
      %dma_wait3A_192 = arith.constant 0 : i32
      %dma_wait3A_193 = tpu.memref_slice %arg3[%dma_wait3A_192] : memref<320512xi32, #tpu.memory_space<hbm>> -> memref<128xi32, #tpu.memory_space<hbm>>
      %dma_wait3A_194 = arith.constant 0 : i32
      %dma_wait3A_195 = tpu.memref_slice %arg3[%dma_wait3A_194] : memref<320512xi32, #tpu.memory_space<hbm>> -> memref<128xi32, #tpu.memory_space<hbm>>
      tpu.wait_dma2 semaphore(%arg14 : memref<!tpu.dma_semaphore, #tpu.memory_space<semaphore_mem>>) src(%dma_wait3A_195 : memref<128xi32, #tpu.memory_space<hbm>>) dst(%arg7 : memref<128xi32, #tpu.memory_space<vmem>>)
      %dma_wait3A_196 = arith.constant 0 : i32
      %dma_wait3A_197 = arith.constant 0 : i32
      %dma_wait3A_198 = tpu.memref_slice %arg2[%dma_wait3A_196, %dma_wait3A_197] : memref<320000x128xf32, #tpu.memory_space<hbm>> -> memref<128x128xf32, #tpu.memory_space<hbm>>
      %dma_wait3A_199 = arith.constant 0 : i32
      %dma_wait3A_200 = arith.constant 0 : i32
      %dma_wait3A_201 = tpu.memref_slice %arg2[%dma_wait3A_199, %dma_wait3A_200] : memref<320000x128xf32, #tpu.memory_space<hbm>> -> memref<128x128xf32, #tpu.memory_space<hbm>>
      tpu.wait_dma2 semaphore(%arg17 : memref<!tpu.dma_semaphore, #tpu.memory_space<semaphore_mem>>) src(%dma_wait3A_201 : memref<128x128xf32, #tpu.memory_space<hbm>>) dst(%arg10 : memref<128x128xf32, #tpu.memory_space<vmem>>)
      %dma_start3A_202 = arith.constant 0 : i32
      %dma_start3A_203 = arith.constant 0 : i32
      %dma_start3A_204 = tpu.memref_slice %arg12[%dma_start3A_202, %dma_start3A_203] : memref<10112x128xf32, #tpu.memory_space<vmem_shared>> -> memref<10112x128xf32, #tpu.memory_space<vmem_shared>>
      tpu.enqueue_indirect_dma source(%arg10 : memref<128x128xf32, #tpu.memory_space<vmem>>) target(%dma_start3A_204 : memref<10112x128xf32, #tpu.memory_space<vmem_shared>>) offsets(%arg7 : memref<128xi32, #tpu.memory_space<vmem>>) semaphore(%arg20 : memref<!tpu.dma_semaphore, #tpu.memory_space<semaphore_mem>>) {add = true}
      %dma_wait3A_205 = arith.constant 0 : i32
      %dma_wait3A_206 = arith.constant 0 : i32
      %dma_wait3A_207 = tpu.memref_slice %arg12[%dma_wait3A_205, %dma_wait3A_206] : memref<10112x128xf32, #tpu.memory_space<vmem_shared>> -> memref<10112x128xf32, #tpu.memory_space<vmem_shared>>
      tpu.wait_indirect_dma semaphore(%arg19 : memref<!tpu.dma_semaphore, #tpu.memory_space<semaphore_mem>>) src(%arg9 : memref<128x128xf32, #tpu.memory_space<vmem>>) dst(%dma_wait3A_207 : memref<10112x128xf32, #tpu.memory_space<vmem_shared>>)
      %add3A_208 = arith.constant 2 : i32
      %add3A_209 = arith.addi %add3A_191, %add3A_208 : i32
      %add3A_210 = arith.addi %mul3A_50, %add3A_209 : i32
      %min3A_211 = arith.constant 2499 : i32
      %min3A_212 = arith.minsi %add3A_210, %min3A_211 : i32
      %mul3A_213 = arith.constant 128 : i32
      %mul3A_214 = arith.muli %min3A_212, %mul3A_213 : i32
      %dma_start3A_215 = tpu.memref_slice %arg3[%mul3A_214] : memref<320512xi32, #tpu.memory_space<hbm>> -> memref<128xi32, #tpu.memory_space<hbm>>
      %dma_start3A_216 = tpu.memref_slice %arg3[%mul3A_214] : memref<320512xi32, #tpu.memory_space<hbm>> -> memref<128xi32, #tpu.memory_space<hbm>>
      tpu.enqueue_dma source(%dma_start3A_216 : memref<128xi32, #tpu.memory_space<hbm>>) target(%arg6 : memref<128xi32, #tpu.memory_space<vmem>>) target_semaphore(%arg13 : memref<!tpu.dma_semaphore, #tpu.memory_space<semaphore_mem>>)
      %mul3A_217 = arith.constant 128 : i32
      %mul3A_218 = arith.muli %min3A_212, %mul3A_217 : i32
      %dma_start3A_219 = arith.constant 0 : i32
      %dma_start3A_220 = tpu.memref_slice %arg2[%mul3A_218, %dma_start3A_219] : memref<320000x128xf32, #tpu.memory_space<hbm>> -> memref<128x128xf32, #tpu.memory_space<hbm>>
      %dma_start3A_221 = arith.constant 0 : i32
      %dma_start3A_222 = tpu.memref_slice %arg2[%mul3A_218, %dma_start3A_221] : memref<320000x128xf32, #tpu.memory_space<hbm>> -> memref<128x128xf32, #tpu.memory_space<hbm>>
      tpu.enqueue_dma source(%dma_start3A_222 : memref<128x128xf32, #tpu.memory_space<hbm>>) target(%arg9 : memref<128x128xf32, #tpu.memory_space<vmem>>) target_semaphore(%arg16 : memref<!tpu.dma_semaphore, #tpu.memory_space<semaphore_mem>>)
      %add3A_223 = arith.constant 2 : i32
      %add3A_224 = arith.addi %mul3A_157, %add3A_223 : i32
      %dma_wait3A_225 = arith.constant 0 : i32
      %dma_wait3A_226 = tpu.memref_slice %arg3[%dma_wait3A_225] : memref<320512xi32, #tpu.memory_space<hbm>> -> memref<128xi32, #tpu.memory_space<hbm>>
      %dma_wait3A_227 = arith.constant 0 : i32
      %dma_wait3A_228 = tpu.memref_slice %arg3[%dma_wait3A_227] : memref<320512xi32, #tpu.memory_space<hbm>> -> memref<128xi32, #tpu.memory_space<hbm>>
      tpu.wait_dma2 semaphore(%arg15 : memref<!tpu.dma_semaphore, #tpu.memory_space<semaphore_mem>>) src(%dma_wait3A_228 : memref<128xi32, #tpu.memory_space<hbm>>) dst(%arg8 : memref<128xi32, #tpu.memory_space<vmem>>)
      %dma_wait3A_229 = arith.constant 0 : i32
      %dma_wait3A_230 = arith.constant 0 : i32
      %dma_wait3A_231 = tpu.memref_slice %arg2[%dma_wait3A_229, %dma_wait3A_230] : memref<320000x128xf32, #tpu.memory_space<hbm>> -> memref<128x128xf32, #tpu.memory_space<hbm>>
      %dma_wait3A_232 = arith.constant 0 : i32
      %dma_wait3A_233 = arith.constant 0 : i32
      %dma_wait3A_234 = tpu.memref_slice %arg2[%dma_wait3A_232, %dma_wait3A_233] : memref<320000x128xf32, #tpu.memory_space<hbm>> -> memref<128x128xf32, #tpu.memory_space<hbm>>
      tpu.wait_dma2 semaphore(%arg18 : memref<!tpu.dma_semaphore, #tpu.memory_space<semaphore_mem>>) src(%dma_wait3A_234 : memref<128x128xf32, #tpu.memory_space<hbm>>) dst(%arg11 : memref<128x128xf32, #tpu.memory_space<vmem>>)
      %dma_start3A_235 = arith.constant 0 : i32
      %dma_start3A_236 = arith.constant 0 : i32
      %dma_start3A_237 = tpu.memref_slice %arg12[%dma_start3A_235, %dma_start3A_236] : memref<10112x128xf32, #tpu.memory_space<vmem_shared>> -> memref<10112x128xf32, #tpu.memory_space<vmem_shared>>
      tpu.enqueue_indirect_dma source(%arg11 : memref<128x128xf32, #tpu.memory_space<vmem>>) target(%dma_start3A_237 : memref<10112x128xf32, #tpu.memory_space<vmem_shared>>) offsets(%arg8 : memref<128xi32, #tpu.memory_space<vmem>>) semaphore(%arg21 : memref<!tpu.dma_semaphore, #tpu.memory_space<semaphore_mem>>) {add = true}
      %dma_wait3A_238 = arith.constant 0 : i32
      %dma_wait3A_239 = arith.constant 0 : i32
      %dma_wait3A_240 = tpu.memref_slice %arg12[%dma_wait3A_238, %dma_wait3A_239] : memref<10112x128xf32, #tpu.memory_space<vmem_shared>> -> memref<10112x128xf32, #tpu.memory_space<vmem_shared>>
      tpu.wait_indirect_dma semaphore(%arg20 : memref<!tpu.dma_semaphore, #tpu.memory_space<semaphore_mem>>) src(%arg10 : memref<128x128xf32, #tpu.memory_space<vmem>>) dst(%dma_wait3A_240 : memref<10112x128xf32, #tpu.memory_space<vmem_shared>>)
      %add3A_241 = arith.constant 2 : i32
      %add3A_242 = arith.addi %add3A_224, %add3A_241 : i32
      %add3A_243 = arith.addi %mul3A_50, %add3A_242 : i32
      %min3A_244 = arith.constant 2499 : i32
      %min3A_245 = arith.minsi %add3A_243, %min3A_244 : i32
      %mul3A_246 = arith.constant 128 : i32
      %mul3A_247 = arith.muli %min3A_245, %mul3A_246 : i32
      %dma_start3A_248 = tpu.memref_slice %arg3[%mul3A_247] : memref<320512xi32, #tpu.memory_space<hbm>> -> memref<128xi32, #tpu.memory_space<hbm>>
      %dma_start3A_249 = tpu.memref_slice %arg3[%mul3A_247] : memref<320512xi32, #tpu.memory_space<hbm>> -> memref<128xi32, #tpu.memory_space<hbm>>
      tpu.enqueue_dma source(%dma_start3A_249 : memref<128xi32, #tpu.memory_space<hbm>>) target(%arg7 : memref<128xi32, #tpu.memory_space<vmem>>) target_semaphore(%arg14 : memref<!tpu.dma_semaphore, #tpu.memory_space<semaphore_mem>>)
      %mul3A_250 = arith.constant 128 : i32
      %mul3A_251 = arith.muli %min3A_245, %mul3A_250 : i32
      %dma_start3A_252 = arith.constant 0 : i32
      %dma_start3A_253 = tpu.memref_slice %arg2[%mul3A_251, %dma_start3A_252] : memref<320000x128xf32, #tpu.memory_space<hbm>> -> memref<128x128xf32, #tpu.memory_space<hbm>>
      %dma_start3A_254 = arith.constant 0 : i32
      %dma_start3A_255 = tpu.memref_slice %arg2[%mul3A_251, %dma_start3A_254] : memref<320000x128xf32, #tpu.memory_space<hbm>> -> memref<128x128xf32, #tpu.memory_space<hbm>>
      tpu.enqueue_dma source(%dma_start3A_255 : memref<128x128xf32, #tpu.memory_space<hbm>>) target(%arg10 : memref<128x128xf32, #tpu.memory_space<vmem>>) target_semaphore(%arg17 : memref<!tpu.dma_semaphore, #tpu.memory_space<semaphore_mem>>)
    }
    %gt3A = arith.constant 0 : i32
    %gt3A_117 = arith.cmpi sgt, %sub3A_108, %gt3A : i32
    %convert_element_type3A = arith.extui %gt3A_117 : i1 to i32
    %cond3A = arith.constant 0 : i32
    %cond3A_118 = arith.cmpi ne, %convert_element_type3A, %cond3A : i32
    scf.if %cond3A_118 {
      %dma_wait3A = arith.constant 0 : i32
      %dma_wait3A_155 = tpu.memref_slice %arg3[%dma_wait3A] : memref<320512xi32, #tpu.memory_space<hbm>> -> memref<128xi32, #tpu.memory_space<hbm>>
      %dma_wait3A_156 = arith.constant 0 : i32
      %dma_wait3A_157 = tpu.memref_slice %arg3[%dma_wait3A_156] : memref<320512xi32, #tpu.memory_space<hbm>> -> memref<128xi32, #tpu.memory_space<hbm>>
      tpu.wait_dma2 semaphore(%arg13 : memref<!tpu.dma_semaphore, #tpu.memory_space<semaphore_mem>>) src(%dma_wait3A_157 : memref<128xi32, #tpu.memory_space<hbm>>) dst(%arg6 : memref<128xi32, #tpu.memory_space<vmem>>)
      %dma_wait3A_158 = arith.constant 0 : i32
      %dma_wait3A_159 = arith.constant 0 : i32
      %dma_wait3A_160 = tpu.memref_slice %arg2[%dma_wait3A_158, %dma_wait3A_159] : memref<320000x128xf32, #tpu.memory_space<hbm>> -> memref<128x128xf32, #tpu.memory_space<hbm>>
      %dma_wait3A_161 = arith.constant 0 : i32
      %dma_wait3A_162 = arith.constant 0 : i32
      %dma_wait3A_163 = tpu.memref_slice %arg2[%dma_wait3A_161, %dma_wait3A_162] : memref<320000x128xf32, #tpu.memory_space<hbm>> -> memref<128x128xf32, #tpu.memory_space<hbm>>
      tpu.wait_dma2 semaphore(%arg16 : memref<!tpu.dma_semaphore, #tpu.memory_space<semaphore_mem>>) src(%dma_wait3A_163 : memref<128x128xf32, #tpu.memory_space<hbm>>) dst(%arg9 : memref<128x128xf32, #tpu.memory_space<vmem>>)
      %dma_start3A_164 = arith.constant 0 : i32
      %dma_start3A_165 = arith.constant 0 : i32
      %dma_start3A_166 = tpu.memref_slice %arg12[%dma_start3A_164, %dma_start3A_165] : memref<10112x128xf32, #tpu.memory_space<vmem_shared>> -> memref<10112x128xf32, #tpu.memory_space<vmem_shared>>
      tpu.enqueue_indirect_dma source(%arg9 : memref<128x128xf32, #tpu.memory_space<vmem>>) target(%dma_start3A_166 : memref<10112x128xf32, #tpu.memory_space<vmem_shared>>) offsets(%arg6 : memref<128xi32, #tpu.memory_space<vmem>>) semaphore(%arg19 : memref<!tpu.dma_semaphore, #tpu.memory_space<semaphore_mem>>) {add = true}
      %dma_wait3A_167 = arith.constant 0 : i32
      %dma_wait3A_168 = arith.constant 0 : i32
      %dma_wait3A_169 = tpu.memref_slice %arg12[%dma_wait3A_167, %dma_wait3A_168] : memref<10112x128xf32, #tpu.memory_space<vmem_shared>> -> memref<10112x128xf32, #tpu.memory_space<vmem_shared>>
      tpu.wait_indirect_dma semaphore(%arg21 : memref<!tpu.dma_semaphore, #tpu.memory_space<semaphore_mem>>) src(%arg11 : memref<128x128xf32, #tpu.memory_space<vmem>>) dst(%dma_wait3A_169 : memref<10112x128xf32, #tpu.memory_space<vmem_shared>>)
    } else {
    }
    %gt3A_119 = arith.constant 1 : i32
    %gt3A_120 = arith.cmpi sgt, %sub3A_108, %gt3A_119 : i32
    %convert_element_type3A_121 = arith.extui %gt3A_120 : i1 to i32
    %cond3A_122 = arith.constant 0 : i32
    %cond3A_123 = arith.cmpi ne, %convert_element_type3A_121, %cond3A_122 : i32
    scf.if %cond3A_123 {
      %dma_wait3A = arith.constant 0 : i32
      %dma_wait3A_155 = tpu.memref_slice %arg3[%dma_wait3A] : memref<320512xi32, #tpu.memory_space<hbm>> -> memref<128xi32, #tpu.memory_space<hbm>>
      %dma_wait3A_156 = arith.constant 0 : i32
      %dma_wait3A_157 = tpu.memref_slice %arg3[%dma_wait3A_156] : memref<320512xi32, #tpu.memory_space<hbm>> -> memref<128xi32, #tpu.memory_space<hbm>>
      tpu.wait_dma2 semaphore(%arg14 : memref<!tpu.dma_semaphore, #tpu.memory_space<semaphore_mem>>) src(%dma_wait3A_157 : memref<128xi32, #tpu.memory_space<hbm>>) dst(%arg7 : memref<128xi32, #tpu.memory_space<vmem>>)
      %dma_wait3A_158 = arith.constant 0 : i32
      %dma_wait3A_159 = arith.constant 0 : i32
      %dma_wait3A_160 = tpu.memref_slice %arg2[%dma_wait3A_158, %dma_wait3A_159] : memref<320000x128xf32, #tpu.memory_space<hbm>> -> memref<128x128xf32, #tpu.memory_space<hbm>>
      %dma_wait3A_161 = arith.constant 0 : i32
      %dma_wait3A_162 = arith.constant 0 : i32
      %dma_wait3A_163 = tpu.memref_slice %arg2[%dma_wait3A_161, %dma_wait3A_162] : memref<320000x128xf32, #tpu.memory_space<hbm>> -> memref<128x128xf32, #tpu.memory_space<hbm>>
      tpu.wait_dma2 semaphore(%arg17 : memref<!tpu.dma_semaphore, #tpu.memory_space<semaphore_mem>>) src(%dma_wait3A_163 : memref<128x128xf32, #tpu.memory_space<hbm>>) dst(%arg10 : memref<128x128xf32, #tpu.memory_space<vmem>>)
      %dma_start3A_164 = arith.constant 0 : i32
      %dma_start3A_165 = arith.constant 0 : i32
      %dma_start3A_166 = tpu.memref_slice %arg12[%dma_start3A_164, %dma_start3A_165] : memref<10112x128xf32, #tpu.memory_space<vmem_shared>> -> memref<10112x128xf32, #tpu.memory_space<vmem_shared>>
      tpu.enqueue_indirect_dma source(%arg10 : memref<128x128xf32, #tpu.memory_space<vmem>>) target(%dma_start3A_166 : memref<10112x128xf32, #tpu.memory_space<vmem_shared>>) offsets(%arg7 : memref<128xi32, #tpu.memory_space<vmem>>) semaphore(%arg20 : memref<!tpu.dma_semaphore, #tpu.memory_space<semaphore_mem>>) {add = true}
      %dma_wait3A_167 = arith.constant 0 : i32
      %dma_wait3A_168 = arith.constant 0 : i32
      %dma_wait3A_169 = tpu.memref_slice %arg12[%dma_wait3A_167, %dma_wait3A_168] : memref<10112x128xf32, #tpu.memory_space<vmem_shared>> -> memref<10112x128xf32, #tpu.memory_space<vmem_shared>>
      tpu.wait_indirect_dma semaphore(%arg19 : memref<!tpu.dma_semaphore, #tpu.memory_space<semaphore_mem>>) src(%arg9 : memref<128x128xf32, #tpu.memory_space<vmem>>) dst(%dma_wait3A_169 : memref<10112x128xf32, #tpu.memory_space<vmem_shared>>)
    } else {
    }
    %eq3A = arith.constant 0 : i32
    %eq3A_124 = arith.cmpi eq, %sub3A_108, %eq3A : i32
    %convert_element_type3A_125 = arith.extui %eq3A_124 : i1 to i32
    %cond3A_126 = arith.constant 0 : i32
    %cond3A_127 = arith.cmpi ne, %convert_element_type3A_125, %cond3A_126 : i32
    scf.if %cond3A_127 {
      %dma_wait3A = arith.constant 0 : i32
      %dma_wait3A_155 = tpu.memref_slice %arg3[%dma_wait3A] : memref<320512xi32, #tpu.memory_space<hbm>> -> memref<128xi32, #tpu.memory_space<hbm>>
      %dma_wait3A_156 = arith.constant 0 : i32
      %dma_wait3A_157 = tpu.memref_slice %arg3[%dma_wait3A_156] : memref<320512xi32, #tpu.memory_space<hbm>> -> memref<128xi32, #tpu.memory_space<hbm>>
      tpu.wait_dma2 semaphore(%arg13 : memref<!tpu.dma_semaphore, #tpu.memory_space<semaphore_mem>>) src(%dma_wait3A_157 : memref<128xi32, #tpu.memory_space<hbm>>) dst(%arg6 : memref<128xi32, #tpu.memory_space<vmem>>)
      %dma_wait3A_158 = arith.constant 0 : i32
      %dma_wait3A_159 = arith.constant 0 : i32
      %dma_wait3A_160 = tpu.memref_slice %arg2[%dma_wait3A_158, %dma_wait3A_159] : memref<320000x128xf32, #tpu.memory_space<hbm>> -> memref<128x128xf32, #tpu.memory_space<hbm>>
      %dma_wait3A_161 = arith.constant 0 : i32
      %dma_wait3A_162 = arith.constant 0 : i32
      %dma_wait3A_163 = tpu.memref_slice %arg2[%dma_wait3A_161, %dma_wait3A_162] : memref<320000x128xf32, #tpu.memory_space<hbm>> -> memref<128x128xf32, #tpu.memory_space<hbm>>
      tpu.wait_dma2 semaphore(%arg16 : memref<!tpu.dma_semaphore, #tpu.memory_space<semaphore_mem>>) src(%dma_wait3A_163 : memref<128x128xf32, #tpu.memory_space<hbm>>) dst(%arg9 : memref<128x128xf32, #tpu.memory_space<vmem>>)
    } else {
    }
    %lt3A = arith.constant 2 : i32
    %lt3A_128 = arith.cmpi slt, %sub3A_108, %lt3A : i32
    %convert_element_type3A_129 = arith.extui %lt3A_128 : i1 to i32
    %cond3A_130 = arith.constant 0 : i32
    %cond3A_131 = arith.cmpi ne, %convert_element_type3A_129, %cond3A_130 : i32
    scf.if %cond3A_131 {
      %dma_wait3A = arith.constant 0 : i32
      %dma_wait3A_155 = tpu.memref_slice %arg3[%dma_wait3A] : memref<320512xi32, #tpu.memory_space<hbm>> -> memref<128xi32, #tpu.memory_space<hbm>>
      %dma_wait3A_156 = arith.constant 0 : i32
      %dma_wait3A_157 = tpu.memref_slice %arg3[%dma_wait3A_156] : memref<320512xi32, #tpu.memory_space<hbm>> -> memref<128xi32, #tpu.memory_space<hbm>>
      tpu.wait_dma2 semaphore(%arg14 : memref<!tpu.dma_semaphore, #tpu.memory_space<semaphore_mem>>) src(%dma_wait3A_157 : memref<128xi32, #tpu.memory_space<hbm>>) dst(%arg7 : memref<128xi32, #tpu.memory_space<vmem>>)
      %dma_wait3A_158 = arith.constant 0 : i32
      %dma_wait3A_159 = arith.constant 0 : i32
      %dma_wait3A_160 = tpu.memref_slice %arg2[%dma_wait3A_158, %dma_wait3A_159] : memref<320000x128xf32, #tpu.memory_space<hbm>> -> memref<128x128xf32, #tpu.memory_space<hbm>>
      %dma_wait3A_161 = arith.constant 0 : i32
      %dma_wait3A_162 = arith.constant 0 : i32
      %dma_wait3A_163 = tpu.memref_slice %arg2[%dma_wait3A_161, %dma_wait3A_162] : memref<320000x128xf32, #tpu.memory_space<hbm>> -> memref<128x128xf32, #tpu.memory_space<hbm>>
      tpu.wait_dma2 semaphore(%arg17 : memref<!tpu.dma_semaphore, #tpu.memory_space<semaphore_mem>>) src(%dma_wait3A_163 : memref<128x128xf32, #tpu.memory_space<hbm>>) dst(%arg10 : memref<128x128xf32, #tpu.memory_space<vmem>>)
    } else {
    }
    %eq3A_132 = arith.constant 0 : i32
    %eq3A_133 = arith.cmpi eq, %sub3A_108, %eq3A_132 : i32
    %convert_element_type3A_134 = arith.extui %eq3A_133 : i1 to i32
    %cond3A_135 = arith.constant 0 : i32
    %cond3A_136 = arith.cmpi ne, %convert_element_type3A_134, %cond3A_135 : i32
    scf.if %cond3A_136 {
      %dma_wait3A = arith.constant 0 : i32
      %dma_wait3A_155 = arith.constant 0 : i32
      %dma_wait3A_156 = tpu.memref_slice %arg12[%dma_wait3A, %dma_wait3A_155] : memref<10112x128xf32, #tpu.memory_space<vmem_shared>> -> memref<10112x128xf32, #tpu.memory_space<vmem_shared>>
      tpu.wait_indirect_dma semaphore(%arg21 : memref<!tpu.dma_semaphore, #tpu.memory_space<semaphore_mem>>) src(%arg11 : memref<128x128xf32, #tpu.memory_space<vmem>>) dst(%dma_wait3A_156 : memref<10112x128xf32, #tpu.memory_space<vmem_shared>>)
    } else {
    }
    %eq3A_137 = arith.constant 1 : i32
    %eq3A_138 = arith.cmpi eq, %sub3A_108, %eq3A_137 : i32
    %convert_element_type3A_139 = arith.extui %eq3A_138 : i1 to i32
    %cond3A_140 = arith.constant 0 : i32
    %cond3A_141 = arith.cmpi ne, %convert_element_type3A_139, %cond3A_140 : i32
    scf.if %cond3A_141 {
      %dma_wait3A = arith.constant 0 : i32
      %dma_wait3A_155 = arith.constant 0 : i32
      %dma_wait3A_156 = tpu.memref_slice %arg12[%dma_wait3A, %dma_wait3A_155] : memref<10112x128xf32, #tpu.memory_space<vmem_shared>> -> memref<10112x128xf32, #tpu.memory_space<vmem_shared>>
      tpu.wait_indirect_dma semaphore(%arg19 : memref<!tpu.dma_semaphore, #tpu.memory_space<semaphore_mem>>) src(%arg9 : memref<128x128xf32, #tpu.memory_space<vmem>>) dst(%dma_wait3A_156 : memref<10112x128xf32, #tpu.memory_space<vmem_shared>>)
    } else {
    }
    %eq3A_142 = arith.constant 2 : i32
    %eq3A_143 = arith.cmpi eq, %sub3A_108, %eq3A_142 : i32
    %convert_element_type3A_144 = arith.extui %eq3A_143 : i1 to i32
    %cond3A_145 = arith.constant 0 : i32
    %cond3A_146 = arith.cmpi ne, %convert_element_type3A_144, %cond3A_145 : i32
    scf.if %cond3A_146 {
      %dma_wait3A = arith.constant 0 : i32
      %dma_wait3A_155 = arith.constant 0 : i32
      %dma_wait3A_156 = tpu.memref_slice %arg12[%dma_wait3A, %dma_wait3A_155] : memref<10112x128xf32, #tpu.memory_space<vmem_shared>> -> memref<10112x128xf32, #tpu.memory_space<vmem_shared>>
      tpu.wait_indirect_dma semaphore(%arg20 : memref<!tpu.dma_semaphore, #tpu.memory_space<semaphore_mem>>) src(%arg10 : memref<128x128xf32, #tpu.memory_space<vmem>>) dst(%dma_wait3A_156 : memref<10112x128xf32, #tpu.memory_space<vmem_shared>>)
    } else {
    }
    %barrier3A_147 = arith.constant 0 : index
    tpu.barrier barrier_id(%barrier3A_147)
    %mul3A_148 = arith.constant 10112 : i32
    %mul3A_149 = arith.muli %arg0, %mul3A_148 : i32
    %mul3A_150 = arith.constant 632 : i32
    %mul3A_151 = arith.muli %arg1, %mul3A_150 : i32
    %add3A_152 = arith.addi %mul3A_149, %mul3A_151 : i32
    %mul3A_153 = arith.constant 632 : i32
    %mul3A_154 = arith.muli %arg1, %mul3A_153 : i32
    "tpu.region"() ({
      %run_scoped3A = tpu.sem_alloc : memref<!tpu.dma_semaphore, #tpu.memory_space<semaphore_mem>>
      %dma_start3A_155 = arith.constant 0 : i32
      %dma_start3A_156 = tpu.memref_slice %arg5[%add3A_152, %dma_start3A_155] : memref<20224x128xf32, #tpu.memory_space<hbm>> -> memref<632x128xf32, #tpu.memory_space<hbm>>
      %dma_start3A_157 = arith.constant 0 : i32
      %dma_start3A_158 = tpu.memref_slice %arg12[%mul3A_154, %dma_start3A_157] : memref<10112x128xf32, #tpu.memory_space<vmem_shared>> -> memref<632x128xf32, #tpu.memory_space<vmem_shared>>
      tpu.enqueue_dma source(%dma_start3A_158 : memref<632x128xf32, #tpu.memory_space<vmem_shared>>) target(%dma_start3A_156 : memref<632x128xf32, #tpu.memory_space<hbm>>) target_semaphore(%run_scoped3A : memref<!tpu.dma_semaphore, #tpu.memory_space<semaphore_mem>>)
      %dma_wait3A = arith.constant 0 : i32
      %dma_wait3A_159 = tpu.memref_slice %arg5[%add3A_152, %dma_wait3A] : memref<20224x128xf32, #tpu.memory_space<hbm>> -> memref<632x128xf32, #tpu.memory_space<hbm>>
      %dma_wait3A_160 = arith.constant 0 : i32
      %dma_wait3A_161 = tpu.memref_slice %arg12[%mul3A_154, %dma_wait3A_160] : memref<10112x128xf32, #tpu.memory_space<vmem_shared>> -> memref<632x128xf32, #tpu.memory_space<vmem_shared>>
      tpu.wait_dma2 semaphore(%run_scoped3A : memref<!tpu.dma_semaphore, #tpu.memory_space<semaphore_mem>>) src(%dma_wait3A_161 : memref<632x128xf32, #tpu.memory_space<vmem_shared>>) dst(%dma_wait3A_159 : memref<632x128xf32, #tpu.memory_space<hbm>>)
      tpu.yield
    }) : () -> ()
    return
  }
}

#map = affine_map<(d0, d1) -> (0, 0)>
#map1 = affine_map<(d0, d1) -> (0)>
module attributes {stable_mosaic.version = 14 : i64} {
  func.func @k(%arg0: i32, %arg1: i32, %arg2: memref<2504x128xi32, #tpu.memory_space<hbm>>, %arg3: memref<10112xf32, #tpu.memory_space<hbm>>, %arg4: memref<323584xf32, #tpu.memory_space<hbm>>, %arg5: memref<80x128xi32, #tpu.memory_space<vmem>>, %arg6: memref<10112xf32, #tpu.memory_space<vmem>>) attributes {dimension_semantics = [#tpu.dimension_semantics<core_parallel>, #tpu.dimension_semantics<subcore_parallel>], iteration_bounds = array<i64: 2, 16>, scalar_prefetch = 0 : i64, scratch_operands = 2 : i64, tpu.core_type = #tpu.core_type<sc_vector_subcore>, window_params = [{transform_indices = #map}, {transform_indices = #map1}, {transform_indices = #map1}]} {
    %mul3A = arith.constant 16 : i32
    %mul3A_0 = arith.muli %arg0, %mul3A : i32
    %add3A = arith.addi %mul3A_0, %arg1 : i32
    "tpu.region"() ({
      %run_scoped3A = tpu.sem_alloc : memref<!tpu.dma_semaphore, #tpu.memory_space<semaphore_mem>>
      tpu.enqueue_dma source(%arg3 : memref<10112xf32, #tpu.memory_space<hbm>>) target(%arg6 : memref<10112xf32, #tpu.memory_space<vmem>>) target_semaphore(%run_scoped3A : memref<!tpu.dma_semaphore, #tpu.memory_space<semaphore_mem>>)
      tpu.wait_dma2 semaphore(%run_scoped3A : memref<!tpu.dma_semaphore, #tpu.memory_space<semaphore_mem>>) src(%arg3 : memref<10112xf32, #tpu.memory_space<hbm>>) dst(%arg6 : memref<10112xf32, #tpu.memory_space<vmem>>)
      tpu.yield
    }) : () -> ()
    %mul3A_1 = arith.constant 313 : i32
    %mul3A_2 = arith.muli %add3A, %mul3A_1 : i32
    %jit3A = arith.constant 32 : i32
    %div3A = arith.divsi %mul3A_2, %jit3A : i32
    %sign3A = arith.constant 0 : i32
    %sign3A_3 = arith.cmpi sgt, %mul3A_2, %sign3A : i32
    %sign3A_4 = arith.extui %sign3A_3 : i1 to i32
    %sign3A_5 = arith.constant 0 : i32
    %sign3A_6 = arith.cmpi slt, %mul3A_2, %sign3A_5 : i32
    %sign3A_7 = arith.extui %sign3A_6 : i1 to i32
    %sign3A_8 = arith.subi %sign3A_4, %sign3A_7 : i32
    %sign3A_9 = arith.constant 0 : i32
    %sign3A_10 = arith.cmpi sgt, %jit3A, %sign3A_9 : i32
    %sign3A_11 = arith.extui %sign3A_10 : i1 to i32
    %sign3A_12 = arith.constant 0 : i32
    %sign3A_13 = arith.cmpi slt, %jit3A, %sign3A_12 : i32
    %sign3A_14 = arith.extui %sign3A_13 : i1 to i32
    %sign3A_15 = arith.subi %sign3A_11, %sign3A_14 : i32
    %ne3A = arith.cmpi ne, %sign3A_8, %sign3A_15 : i32
    %rem3A = arith.remsi %mul3A_2, %jit3A : i32
    %ne3A_16 = arith.constant 0 : i32
    %ne3A_17 = arith.cmpi ne, %rem3A, %ne3A_16 : i32
    %and3A = arith.andi %ne3A, %ne3A_17 : i1
    %sub3A = arith.constant 1 : i32
    %sub3A_18 = arith.subi %div3A, %sub3A : i32
    %select_n3A = arith.select %and3A, %sub3A_18, %div3A : i32
    %add3A_19 = arith.constant 1 : i32
    %add3A_20 = arith.addi %add3A, %add3A_19 : i32
    %mul3A_21 = arith.constant 313 : i32
    %mul3A_22 = arith.muli %add3A_20, %mul3A_21 : i32
    %jit3A_23 = arith.constant 32 : i32
    %div3A_24 = arith.divsi %mul3A_22, %jit3A_23 : i32
    %sign3A_25 = arith.constant 0 : i32
    %sign3A_26 = arith.cmpi sgt, %mul3A_22, %sign3A_25 : i32
    %sign3A_27 = arith.extui %sign3A_26 : i1 to i32
    %sign3A_28 = arith.constant 0 : i32
    %sign3A_29 = arith.cmpi slt, %mul3A_22, %sign3A_28 : i32
    %sign3A_30 = arith.extui %sign3A_29 : i1 to i32
    %sign3A_31 = arith.subi %sign3A_27, %sign3A_30 : i32
    %sign3A_32 = arith.constant 0 : i32
    %sign3A_33 = arith.cmpi sgt, %jit3A_23, %sign3A_32 : i32
    %sign3A_34 = arith.extui %sign3A_33 : i1 to i32
    %sign3A_35 = arith.constant 0 : i32
    %sign3A_36 = arith.cmpi slt, %jit3A_23, %sign3A_35 : i32
    %sign3A_37 = arith.extui %sign3A_36 : i1 to i32
    %sign3A_38 = arith.subi %sign3A_34, %sign3A_37 : i32
    %ne3A_39 = arith.cmpi ne, %sign3A_31, %sign3A_38 : i32
    %rem3A_40 = arith.remsi %mul3A_22, %jit3A_23 : i32
    %ne3A_41 = arith.constant 0 : i32
    %ne3A_42 = arith.cmpi ne, %rem3A_40, %ne3A_41 : i32
    %and3A_43 = arith.andi %ne3A_39, %ne3A_42 : i1
    %sub3A_44 = arith.constant 1 : i32
    %sub3A_45 = arith.subi %div3A_24, %sub3A_44 : i32
    %select_n3A_46 = arith.select %and3A_43, %sub3A_45, %div3A_24 : i32
    %mul3A_47 = arith.constant 8 : i32
    %mul3A_48 = arith.muli %mul3A_47, %select_n3A : i32
    %mul3A_49 = arith.constant 8 : i32
    %mul3A_50 = arith.muli %mul3A_49, %select_n3A_46 : i32
    %min3A = arith.constant 2500 : i32
    %min3A_51 = arith.minsi %mul3A_50, %min3A : i32
    %sub3A_52 = arith.subi %min3A_51, %mul3A_48 : i32
    "tpu.region"() ({
      %run_scoped3A = tpu.sem_alloc : memref<!tpu.dma_semaphore, #tpu.memory_space<semaphore_mem>>
      %dma_start3A = arith.constant 0 : i32
      %dma_start3A_64 = tpu.memref_slice %arg2[%mul3A_48, %dma_start3A] : memref<2504x128xi32, #tpu.memory_space<hbm>> -> memref<80x128xi32, #tpu.memory_space<hbm>>
      %dma_start3A_65 = arith.constant 0 : i32
      %dma_start3A_66 = tpu.memref_slice %arg2[%mul3A_48, %dma_start3A_65] : memref<2504x128xi32, #tpu.memory_space<hbm>> -> memref<80x128xi32, #tpu.memory_space<hbm>>
      tpu.enqueue_dma source(%dma_start3A_66 : memref<80x128xi32, #tpu.memory_space<hbm>>) target(%arg5 : memref<80x128xi32, #tpu.memory_space<vmem>>) target_semaphore(%run_scoped3A : memref<!tpu.dma_semaphore, #tpu.memory_space<semaphore_mem>>)
      %dma_wait3A = arith.constant 0 : i32
      %dma_wait3A_67 = tpu.memref_slice %arg2[%mul3A_48, %dma_wait3A] : memref<2504x128xi32, #tpu.memory_space<hbm>> -> memref<80x128xi32, #tpu.memory_space<hbm>>
      %dma_wait3A_68 = arith.constant 0 : i32
      %dma_wait3A_69 = tpu.memref_slice %arg2[%mul3A_48, %dma_wait3A_68] : memref<2504x128xi32, #tpu.memory_space<hbm>> -> memref<80x128xi32, #tpu.memory_space<hbm>>
      tpu.wait_dma2 semaphore(%run_scoped3A : memref<!tpu.dma_semaphore, #tpu.memory_space<semaphore_mem>>) src(%dma_wait3A_69 : memref<80x128xi32, #tpu.memory_space<hbm>>) dst(%arg5 : memref<80x128xi32, #tpu.memory_space<vmem>>)
      tpu.yield
    }) : () -> ()
    %broadcast_in_dim3A = arith.constant 1.000000e+00 : f32
    %broadcast_in_dim3A_53 = vector.broadcast %broadcast_in_dim3A : f32 to vector<16xf32>
    %while3A = arith.constant 0 : i32
    %while3A_54 = arith.subi %sub3A_52, %while3A : i32
    %while3A_55 = arith.addi %while3A, %while3A_54 : i32
    %while3A_56 = arith.constant 1 : i32
    %while3A_57 = arith.divsi %while3A_54, %while3A_56 : i32
    %while3A_58 = arith.muli %while3A_57, %while3A_56 : i32
    %while3A_59 = arith.addi %while3A, %while3A_58 : i32
    %while3A_60 = arith.constant 1 : i32
    scf.for %while3A_64 = %while3A to %while3A_59 step %while3A_60  : i32 {
      %get3A = arith.index_cast %while3A_64 : i32 to index
      %get3A_65 = arith.constant 0 : index
      %get3A_66 = tpu.vector_load %arg5[%get3A, %get3A_65] {strides = array<i32>} : memref<80x128xi32, #tpu.memory_space<vmem>>, vector<16xi32>,
      tpu.vector_store_idx %arg6[%get3A_66], %broadcast_in_dim3A_53 {add = true} : memref<10112xf32, #tpu.memory_space<vmem>>[vector<16xi32>], vector<16xf32>,
      %get3A_67 = arith.index_cast %while3A_64 : i32 to index
      %get3A_68 = arith.constant 16 : index
      %get3A_69 = tpu.vector_load %arg5[%get3A_67, %get3A_68] {strides = array<i32>} : memref<80x128xi32, #tpu.memory_space<vmem>>, vector<16xi32>,
      tpu.vector_store_idx %arg6[%get3A_69], %broadcast_in_dim3A_53 {add = true} : memref<10112xf32, #tpu.memory_space<vmem>>[vector<16xi32>], vector<16xf32>,
      %get3A_70 = arith.index_cast %while3A_64 : i32 to index
      %get3A_71 = arith.constant 32 : index
      %get3A_72 = tpu.vector_load %arg5[%get3A_70, %get3A_71] {strides = array<i32>} : memref<80x128xi32, #tpu.memory_space<vmem>>, vector<16xi32>,
      tpu.vector_store_idx %arg6[%get3A_72], %broadcast_in_dim3A_53 {add = true} : memref<10112xf32, #tpu.memory_space<vmem>>[vector<16xi32>], vector<16xf32>,
      %get3A_73 = arith.index_cast %while3A_64 : i32 to index
      %get3A_74 = arith.constant 48 : index
      %get3A_75 = tpu.vector_load %arg5[%get3A_73, %get3A_74] {strides = array<i32>} : memref<80x128xi32, #tpu.memory_space<vmem>>, vector<16xi32>,
      tpu.vector_store_idx %arg6[%get3A_75], %broadcast_in_dim3A_53 {add = true} : memref<10112xf32, #tpu.memory_space<vmem>>[vector<16xi32>], vector<16xf32>,
      %get3A_76 = arith.index_cast %while3A_64 : i32 to index
      %get3A_77 = arith.constant 64 : index
      %get3A_78 = tpu.vector_load %arg5[%get3A_76, %get3A_77] {strides = array<i32>} : memref<80x128xi32, #tpu.memory_space<vmem>>, vector<16xi32>,
      tpu.vector_store_idx %arg6[%get3A_78], %broadcast_in_dim3A_53 {add = true} : memref<10112xf32, #tpu.memory_space<vmem>>[vector<16xi32>], vector<16xf32>,
      %get3A_79 = arith.index_cast %while3A_64 : i32 to index
      %get3A_80 = arith.constant 80 : index
      %get3A_81 = tpu.vector_load %arg5[%get3A_79, %get3A_80] {strides = array<i32>} : memref<80x128xi32, #tpu.memory_space<vmem>>, vector<16xi32>,
      tpu.vector_store_idx %arg6[%get3A_81], %broadcast_in_dim3A_53 {add = true} : memref<10112xf32, #tpu.memory_space<vmem>>[vector<16xi32>], vector<16xf32>,
      %get3A_82 = arith.index_cast %while3A_64 : i32 to index
      %get3A_83 = arith.constant 96 : index
      %get3A_84 = tpu.vector_load %arg5[%get3A_82, %get3A_83] {strides = array<i32>} : memref<80x128xi32, #tpu.memory_space<vmem>>, vector<16xi32>,
      tpu.vector_store_idx %arg6[%get3A_84], %broadcast_in_dim3A_53 {add = true} : memref<10112xf32, #tpu.memory_space<vmem>>[vector<16xi32>], vector<16xf32>,
      %get3A_85 = arith.index_cast %while3A_64 : i32 to index
      %get3A_86 = arith.constant 112 : index
      %get3A_87 = tpu.vector_load %arg5[%get3A_85, %get3A_86] {strides = array<i32>} : memref<80x128xi32, #tpu.memory_space<vmem>>, vector<16xi32>,
      tpu.vector_store_idx %arg6[%get3A_87], %broadcast_in_dim3A_53 {add = true} : memref<10112xf32, #tpu.memory_space<vmem>>[vector<16xi32>], vector<16xf32>,
    }
    %while3A_61 = arith.constant 1 : i32
    scf.for %while3A_64 = %while3A_59 to %while3A_55 step %while3A_61  : i32 {
      %get3A = arith.index_cast %while3A_64 : i32 to index
      %get3A_65 = arith.constant 0 : index
      %get3A_66 = tpu.vector_load %arg5[%get3A, %get3A_65] {strides = array<i32>} : memref<80x128xi32, #tpu.memory_space<vmem>>, vector<16xi32>,
      tpu.vector_store_idx %arg6[%get3A_66], %broadcast_in_dim3A_53 {add = true} : memref<10112xf32, #tpu.memory_space<vmem>>[vector<16xi32>], vector<16xf32>,
      %get3A_67 = arith.index_cast %while3A_64 : i32 to index
      %get3A_68 = arith.constant 16 : index
      %get3A_69 = tpu.vector_load %arg5[%get3A_67, %get3A_68] {strides = array<i32>} : memref<80x128xi32, #tpu.memory_space<vmem>>, vector<16xi32>,
      tpu.vector_store_idx %arg6[%get3A_69], %broadcast_in_dim3A_53 {add = true} : memref<10112xf32, #tpu.memory_space<vmem>>[vector<16xi32>], vector<16xf32>,
      %get3A_70 = arith.index_cast %while3A_64 : i32 to index
      %get3A_71 = arith.constant 32 : index
      %get3A_72 = tpu.vector_load %arg5[%get3A_70, %get3A_71] {strides = array<i32>} : memref<80x128xi32, #tpu.memory_space<vmem>>, vector<16xi32>,
      tpu.vector_store_idx %arg6[%get3A_72], %broadcast_in_dim3A_53 {add = true} : memref<10112xf32, #tpu.memory_space<vmem>>[vector<16xi32>], vector<16xf32>,
      %get3A_73 = arith.index_cast %while3A_64 : i32 to index
      %get3A_74 = arith.constant 48 : index
      %get3A_75 = tpu.vector_load %arg5[%get3A_73, %get3A_74] {strides = array<i32>} : memref<80x128xi32, #tpu.memory_space<vmem>>, vector<16xi32>,
      tpu.vector_store_idx %arg6[%get3A_75], %broadcast_in_dim3A_53 {add = true} : memref<10112xf32, #tpu.memory_space<vmem>>[vector<16xi32>], vector<16xf32>,
      %get3A_76 = arith.index_cast %while3A_64 : i32 to index
      %get3A_77 = arith.constant 64 : index
      %get3A_78 = tpu.vector_load %arg5[%get3A_76, %get3A_77] {strides = array<i32>} : memref<80x128xi32, #tpu.memory_space<vmem>>, vector<16xi32>,
      tpu.vector_store_idx %arg6[%get3A_78], %broadcast_in_dim3A_53 {add = true} : memref<10112xf32, #tpu.memory_space<vmem>>[vector<16xi32>], vector<16xf32>,
      %get3A_79 = arith.index_cast %while3A_64 : i32 to index
      %get3A_80 = arith.constant 80 : index
      %get3A_81 = tpu.vector_load %arg5[%get3A_79, %get3A_80] {strides = array<i32>} : memref<80x128xi32, #tpu.memory_space<vmem>>, vector<16xi32>,
      tpu.vector_store_idx %arg6[%get3A_81], %broadcast_in_dim3A_53 {add = true} : memref<10112xf32, #tpu.memory_space<vmem>>[vector<16xi32>], vector<16xf32>,
      %get3A_82 = arith.index_cast %while3A_64 : i32 to index
      %get3A_83 = arith.constant 96 : index
      %get3A_84 = tpu.vector_load %arg5[%get3A_82, %get3A_83] {strides = array<i32>} : memref<80x128xi32, #tpu.memory_space<vmem>>, vector<16xi32>,
      tpu.vector_store_idx %arg6[%get3A_84], %broadcast_in_dim3A_53 {add = true} : memref<10112xf32, #tpu.memory_space<vmem>>[vector<16xi32>], vector<16xf32>,
      %get3A_85 = arith.index_cast %while3A_64 : i32 to index
      %get3A_86 = arith.constant 112 : index
      %get3A_87 = tpu.vector_load %arg5[%get3A_85, %get3A_86] {strides = array<i32>} : memref<80x128xi32, #tpu.memory_space<vmem>>, vector<16xi32>,
      tpu.vector_store_idx %arg6[%get3A_87], %broadcast_in_dim3A_53 {add = true} : memref<10112xf32, #tpu.memory_space<vmem>>[vector<16xi32>], vector<16xf32>,
    }
    %mul3A_62 = arith.constant 10112 : i32
    %mul3A_63 = arith.muli %add3A, %mul3A_62 : i32
    "tpu.region"() ({
      %run_scoped3A = tpu.sem_alloc : memref<!tpu.dma_semaphore, #tpu.memory_space<semaphore_mem>>
      %dma_start3A = tpu.memref_slice %arg4[%mul3A_63] : memref<323584xf32, #tpu.memory_space<hbm>> -> memref<10112xf32, #tpu.memory_space<hbm>>
      %dma_start3A_64 = tpu.memref_slice %arg4[%mul3A_63] : memref<323584xf32, #tpu.memory_space<hbm>> -> memref<10112xf32, #tpu.memory_space<hbm>>
      tpu.enqueue_dma source(%arg6 : memref<10112xf32, #tpu.memory_space<vmem>>) target(%dma_start3A_64 : memref<10112xf32, #tpu.memory_space<hbm>>) target_semaphore(%run_scoped3A : memref<!tpu.dma_semaphore, #tpu.memory_space<semaphore_mem>>)
      %dma_wait3A = tpu.memref_slice %arg4[%mul3A_63] : memref<323584xf32, #tpu.memory_space<hbm>> -> memref<10112xf32, #tpu.memory_space<hbm>>
      %dma_wait3A_65 = tpu.memref_slice %arg4[%mul3A_63] : memref<323584xf32, #tpu.memory_space<hbm>> -> memref<10112xf32, #tpu.memory_space<hbm>>
      tpu.wait_dma2 semaphore(%run_scoped3A : memref<!tpu.dma_semaphore, #tpu.memory_space<semaphore_mem>>) src(%arg6 : memref<10112xf32, #tpu.memory_space<vmem>>) dst(%dma_wait3A_65 : memref<10112xf32, #tpu.memory_space<hbm>>)
      tpu.yield
    }) : () -> ()
    return
  }
}

module attributes {stable_mosaic.version = 14 : i64} {
  func.func @body(%arg0: i32, %arg1: memref<2x1024x128xf32, #tpu.memory_space<vmem>>, %arg2: memref<32x8x128xf32, #tpu.memory_space<vmem>>, %arg3: memref<128x300xf32, #tpu.memory_space<vmem>>, %arg4: memref<1x300xf32, #tpu.memory_space<vmem>>, %arg5: memref<300x300xf32, #tpu.memory_space<vmem>>, %arg6: memref<1x300xf32, #tpu.memory_space<vmem>>, %arg7: memref<1024x300xf32, #tpu.memory_space<vmem>>) attributes {dimension_semantics = [#tpu.dimension_semantics<arbitrary>], iteration_bounds = array<i64: 10>, scalar_prefetch = 0 : i64, scratch_operands = 0 : i64, tpu.core_type = #tpu.core_type<tc>, window_params = [{transform_indices = @transform_0, window_bounds = array<i64: 2, 1024, 128>}, {transform_indices = @transform_1, window_bounds = array<i64: 32, 8, 128>}, {pipeline_mode = #tpu.pipeline_mode<synchronous>, transform_indices = @transform_2, window_bounds = array<i64: 128, 300>}, {pipeline_mode = #tpu.pipeline_mode<synchronous>, transform_indices = @transform_3, window_bounds = array<i64: 1, 300>}, {pipeline_mode = #tpu.pipeline_mode<synchronous>, transform_indices = @transform_4, window_bounds = array<i64: 300, 300>}, {pipeline_mode = #tpu.pipeline_mode<synchronous>, transform_indices = @transform_5, window_bounds = array<i64: 1, 300>}, {transform_indices = @transform_6, window_bounds = array<i64: 1024, 300>}]} {
    %get3A = arith.constant 0 : index
    %get3A_0 = arith.constant 0 : index
    %get3A_1 = arith.constant 0 : index
    %get3A_2 = vector.load %arg1[%get3A, %get3A_0, %get3A_1] : memref<2x1024x128xf32, #tpu.memory_space<vmem>>, vector<1x1024x128xf32>
    %get3A_3 = vector.shape_cast %get3A_2 : vector<1x1024x128xf32> to vector<1024x128xf32>
    %get3A_4 = arith.constant 1 : index
    %get3A_5 = arith.constant 0 : index
    %get3A_6 = arith.constant 0 : index
    %get3A_7 = vector.load %arg1[%get3A_4, %get3A_5, %get3A_6] : memref<2x1024x128xf32, #tpu.memory_space<vmem>>, vector<1x1024x128xf32>
    %get3A_8 = vector.shape_cast %get3A_7 : vector<1x1024x128xf32> to vector<1024x128xf32>
    %add3A = arith.addf %get3A_3, %get3A_8 : vector<1024x128xf32>
    %get3A_9 = arith.constant 0 : index
    %get3A_10 = arith.constant 0 : index
    %get3A_11 = arith.constant 0 : index
    %get3A_12 = vector.load %arg2[%get3A_9, %get3A_10, %get3A_11] : memref<32x8x128xf32, #tpu.memory_space<vmem>>, vector<32x8x128xf32>
    %reduce_sum3A = arith.constant dense<0.000000e+00> : vector<8x128xf32>
    %reduce_sum3A_13 = vector.multi_reduction <add>, %get3A_12, %reduce_sum3A [0] : vector<32x8x128xf32> to vector<8x128xf32>
    %iota3A = tpu.iota {dimensions = array<i32: 0>} : vector<1024x128xi32>
    %iota3A_14 = tpu.iota {dimensions = array<i32: 1>} : vector<1024x128xi32>
    %iota3A_15 = tpu.iota {dimensions = array<i32: 0>} : vector<1024x8xi32>
    %iota3A_16 = tpu.iota {dimensions = array<i32: 1>} : vector<1024x8xi32>
    %jit3A = arith.constant 128 : i32
    %div3A = vector.broadcast %jit3A : i32 to vector<1024x8xi32>
    %div3A_17 = arith.divsi %iota3A_15, %div3A : vector<1024x8xi32>
    %sign3A = arith.constant 0 : i32
    %sign3A_18 = vector.broadcast %sign3A : i32 to vector<1024x8xi32>
    %sign3A_19 = arith.cmpi sgt, %iota3A_15, %sign3A_18 : vector<1024x8xi32>
    %sign3A_20 = arith.extui %sign3A_19 : vector<1024x8xi1> to vector<1024x8xi32>
    %sign3A_21 = arith.constant 0 : i32
    %sign3A_22 = vector.broadcast %sign3A_21 : i32 to vector<1024x8xi32>
    %sign3A_23 = arith.cmpi slt, %iota3A_15, %sign3A_22 : vector<1024x8xi32>
    %sign3A_24 = arith.extui %sign3A_23 : vector<1024x8xi1> to vector<1024x8xi32>
    %sign3A_25 = arith.subi %sign3A_20, %sign3A_24 : vector<1024x8xi32>
    %sign3A_26 = arith.constant 0 : i32
    %sign3A_27 = arith.cmpi sgt, %jit3A, %sign3A_26 : i32
    %sign3A_28 = arith.extui %sign3A_27 : i1 to i32
    %sign3A_29 = arith.constant 0 : i32
    %sign3A_30 = arith.cmpi slt, %jit3A, %sign3A_29 : i32
    %sign3A_31 = arith.extui %sign3A_30 : i1 to i32
    %sign3A_32 = arith.subi %sign3A_28, %sign3A_31 : i32
    %ne3A = vector.broadcast %sign3A_32 : i32 to vector<1024x8xi32>
    %ne3A_33 = arith.cmpi ne, %sign3A_25, %ne3A : vector<1024x8xi32>
    %rem3A = vector.broadcast %jit3A : i32 to vector<1024x8xi32>
    %rem3A_34 = arith.remsi %iota3A_15, %rem3A : vector<1024x8xi32>
    %ne3A_35 = arith.constant 0 : i32
    %ne3A_36 = vector.broadcast %ne3A_35 : i32 to vector<1024x8xi32>
    %ne3A_37 = arith.cmpi ne, %rem3A_34, %ne3A_36 : vector<1024x8xi32>
    %and3A = arith.andi %ne3A_33, %ne3A_37 : vector<1024x8xi1>
    %sub3A = arith.constant 1 : i32
    %sub3A_38 = vector.broadcast %sub3A : i32 to vector<1024x8xi32>
    %sub3A_39 = arith.subi %div3A_17, %sub3A_38 : vector<1024x8xi32>
    %select_n3A = arith.select %and3A, %sub3A_39, %div3A_17 : vector<1024x8xi1>, vector<1024x8xi32>
    %eq3A = arith.cmpi eq, %select_n3A, %iota3A_16 : vector<1024x8xi32>
    %convert_element_type3A = arith.extui %eq3A : vector<1024x8xi1> to vector<1024x8xi32>
    %convert_element_type3A_40 = arith.sitofp %convert_element_type3A : vector<1024x8xi32> to vector<1024x8xf32>
    %dot_general3A = arith.constant dense<0.000000e+00> : vector<1024x128xf32>
    %dot_general3A_41 = tpu.matmul %convert_element_type3A_40, %reduce_sum3A_13, %dot_general3A {dimension_numbers = #tpu.dot_dimension_numbers<[1], [0], [0], [1], [0, 0, 1, 1], [], []>, transpose_lhs_hint = false} : vector<1024x8xf32>, vector<8x128xf32>, vector<1024x128xf32> -> vector<1024x128xf32>
    %jit3A_42 = arith.constant 128 : i32
    %eq3A_43 = arith.constant 0 : i32
    %eq3A_44 = arith.cmpi eq, %jit3A_42, %eq3A_43 : i32
    %jit3A_45 = arith.constant 1 : i32
    %select_n3A_46 = arith.select %eq3A_44, %jit3A_45, %jit3A_42 : i32
    %rem3A_47 = vector.broadcast %select_n3A_46 : i32 to vector<1024x128xi32>
    %rem3A_48 = arith.remsi %iota3A, %rem3A_47 : vector<1024x128xi32>
    %ne3A_49 = arith.constant 0 : i32
    %ne3A_50 = vector.broadcast %ne3A_49 : i32 to vector<1024x128xi32>
    %ne3A_51 = arith.cmpi ne, %rem3A_48, %ne3A_50 : vector<1024x128xi32>
    %lt3A = arith.constant 0 : i32
    %lt3A_52 = vector.broadcast %lt3A : i32 to vector<1024x128xi32>
    %lt3A_53 = arith.cmpi slt, %rem3A_48, %lt3A_52 : vector<1024x128xi32>
    %lt3A_54 = arith.constant 0 : i32
    %lt3A_55 = arith.cmpi slt, %select_n3A_46, %lt3A_54 : i32
    %ne3A_56 = vector.broadcast %lt3A_55 : i1 to vector<1024x128xi1>
    %ne3A_57 = vector.broadcast %ne3A_56 : vector<1024x128xi1> to vector<1024x128xi1>
    %ne3A_58 = arith.xori %lt3A_53, %ne3A_57 : vector<1024x128xi1>
    %and3A_59 = arith.andi %ne3A_58, %ne3A_51 : vector<1024x128xi1>
    %add3A_60 = vector.broadcast %select_n3A_46 : i32 to vector<1024x128xi32>
    %add3A_61 = arith.addi %rem3A_48, %add3A_60 : vector<1024x128xi32>
    %select_n3A_62 = arith.select %and3A_59, %add3A_61, %rem3A_48 : vector<1024x128xi1>, vector<1024x128xi32>
    %eq3A_63 = arith.cmpi eq, %select_n3A_62, %iota3A_14 : vector<1024x128xi32>
    %jit3A_64 = arith.constant 0.000000e+00 : f32
    %broadcast_in_dim3A = vector.broadcast %jit3A_64 : f32 to vector<1024x128xf32>
    %select_n3A_65 = arith.select %eq3A_63, %dot_general3A_41, %broadcast_in_dim3A : vector<1024x128xi1>, vector<1024x128xf32>
    %reduce_sum3A_66 = arith.constant dense<0.000000e+00> : vector<1024xf32>
    %reduce_sum3A_67 = vector.multi_reduction <add>, %select_n3A_65, %reduce_sum3A_66 [1] : vector<1024x128xf32> to vector<1024xf32>
    %broadcast_in_dim3A_68 = vector.shape_cast %reduce_sum3A_67 : vector<1024xf32> to vector<1024x1xf32>
    %gt3A = arith.constant 0.000000e+00 : f32
    %gt3A_69 = vector.broadcast %gt3A : f32 to vector<1024x1xf32>
    %gt3A_70 = arith.cmpf ogt, %broadcast_in_dim3A_68, %gt3A_69 : vector<1024x1xf32>
    %max3A = arith.constant 1.000000e+00 : f32
    %max3A_71 = vector.broadcast %max3A : f32 to vector<1024x1xf32>
    %max3A_72 = arith.maximumf %broadcast_in_dim3A_68, %max3A_71 : vector<1024x1xf32>
    %div3A_73 = vector.broadcast %max3A_72 : vector<1024x1xf32> to vector<1024x128xf32>
    %div3A_74 = arith.divf %add3A, %div3A_73 : vector<1024x128xf32>
    %jit3A_75 = arith.constant 0.000000e+00 : f32
    %broadcast_in_dim3A_76 = vector.shape_cast %gt3A_70 : vector<1024x1xi1> to vector<1024x1xi1>
    %broadcast_in_dim3A_77 = vector.broadcast %broadcast_in_dim3A_76 : vector<1024x1xi1> to vector<1024x128xi1>
    %broadcast_in_dim3A_78 = vector.broadcast %jit3A_75 : f32 to vector<1024x128xf32>
    %select_n3A_79 = arith.select %broadcast_in_dim3A_77, %div3A_74, %broadcast_in_dim3A_78 : vector<1024x128xi1>, vector<1024x128xf32>
    %get3A_80 = arith.constant 0 : index
    %get3A_81 = arith.constant 0 : index
    %get3A_82 = vector.load %arg3[%get3A_80, %get3A_81] : memref<128x300xf32, #tpu.memory_space<vmem>>, vector<128x300xf32>
    %dot_general3A_83 = arith.constant dense<0.000000e+00> : vector<1024x300xf32>
    %dot_general3A_84 = tpu.matmul %select_n3A_79, %get3A_82, %dot_general3A_83 {dimension_numbers = #tpu.dot_dimension_numbers<[1], [0], [0], [1], [0, 0, 1, 1], [], []>, transpose_lhs_hint = false} : vector<1024x128xf32>, vector<128x300xf32>, vector<1024x300xf32> -> vector<1024x300xf32>
    %get3A_85 = arith.constant 0 : index
    %get3A_86 = arith.constant 0 : index
    %get3A_87 = vector.load %arg4[%get3A_85, %get3A_86] : memref<1x300xf32, #tpu.memory_space<vmem>>, vector<1x300xf32>
    %add3A_88 = vector.broadcast %get3A_87 : vector<1x300xf32> to vector<1024x300xf32>
    %add3A_89 = arith.addf %dot_general3A_84, %add3A_88 : vector<1024x300xf32>
    %mul3A = arith.constant 5.000000e-01 : f32
    %mul3A_90 = vector.broadcast %mul3A : f32 to vector<1024x300xf32>
    %mul3A_91 = arith.mulf %mul3A_90, %add3A_89 : vector<1024x300xf32>
    %mul3A_92 = arith.constant 0.707106769 : f32
    %mul3A_93 = vector.broadcast %mul3A_92 : f32 to vector<1024x300xf32>
    %mul3A_94 = arith.mulf %add3A_89, %mul3A_93 : vector<1024x300xf32>
    %erf3A = math.erf %mul3A_94 : vector<1024x300xf32>
    %add3A_95 = arith.constant 1.000000e+00 : f32
    %add3A_96 = vector.broadcast %add3A_95 : f32 to vector<1024x300xf32>
    %add3A_97 = arith.addf %add3A_96, %erf3A : vector<1024x300xf32>
    %mul3A_98 = arith.mulf %mul3A_91, %add3A_97 : vector<1024x300xf32>
    %get3A_99 = arith.constant 0 : index
    %get3A_100 = arith.constant 0 : index
    %get3A_101 = vector.load %arg5[%get3A_99, %get3A_100] : memref<300x300xf32, #tpu.memory_space<vmem>>, vector<300x300xf32>
    %dot_general3A_102 = arith.constant dense<0.000000e+00> : vector<1024x300xf32>
    %dot_general3A_103 = tpu.matmul %mul3A_98, %get3A_101, %dot_general3A_102 {dimension_numbers = #tpu.dot_dimension_numbers<[1], [0], [0], [1], [0, 0, 1, 1], [], []>, transpose_lhs_hint = false} : vector<1024x300xf32>, vector<300x300xf32>, vector<1024x300xf32> -> vector<1024x300xf32>
    %get3A_104 = arith.constant 0 : index
    %get3A_105 = arith.constant 0 : index
    %get3A_106 = vector.load %arg6[%get3A_104, %get3A_105] : memref<1x300xf32, #tpu.memory_space<vmem>>, vector<1x300xf32>
    %add3A_107 = vector.broadcast %get3A_106 : vector<1x300xf32> to vector<1024x300xf32>
    %add3A_108 = arith.addf %dot_general3A_103, %add3A_107 : vector<1024x300xf32>
    %mul3A_109 = arith.constant 5.000000e-01 : f32
    %mul3A_110 = vector.broadcast %mul3A_109 : f32 to vector<1024x300xf32>
    %mul3A_111 = arith.mulf %mul3A_110, %add3A_108 : vector<1024x300xf32>
    %mul3A_112 = arith.constant 0.707106769 : f32
    %mul3A_113 = vector.broadcast %mul3A_112 : f32 to vector<1024x300xf32>
    %mul3A_114 = arith.mulf %add3A_108, %mul3A_113 : vector<1024x300xf32>
    %erf3A_115 = math.erf %mul3A_114 : vector<1024x300xf32>
    %add3A_116 = arith.constant 1.000000e+00 : f32
    %add3A_117 = vector.broadcast %add3A_116 : f32 to vector<1024x300xf32>
    %add3A_118 = arith.addf %add3A_117, %erf3A_115 : vector<1024x300xf32>
    %mul3A_119 = arith.mulf %mul3A_111, %add3A_118 : vector<1024x300xf32>
    %swap3A = arith.constant 0 : index
    %swap3A_120 = arith.constant 0 : index
    %swap3A_121 = vector.load %arg7[%swap3A, %swap3A_120] : memref<1024x300xf32, #tpu.memory_space<vmem>>, vector<1024x300xf32>
    tpu.vector_store %arg7[%swap3A, %swap3A_120], %mul3A_119 {strides = array<i32>} : memref<1024x300xf32, #tpu.memory_space<vmem>>, vector<1024x300xf32>,
    return
  }
  func.func @transform_0(%arg0: i32) -> (i32, i32, i32) {
    %c0_i32 = arith.constant 0 : i32
    %c0_i32_0 = arith.constant 0 : i32
    %c0_i32_1 = arith.constant 0 : i32
    return %c0_i32, %arg0, %c0_i32_0 : i32, i32, i32
  }
  func.func @transform_1(%arg0: i32) -> (i32, i32, i32) {
    %c0_i32 = arith.constant 0 : i32
    %c0_i32_0 = arith.constant 0 : i32
    %c0_i32_1 = arith.constant 0 : i32
    return %c0_i32, %arg0, %c0_i32_0 : i32, i32, i32
  }
  func.func @transform_2(%arg0: i32) -> (i32, i32) {
    %c0_i32 = arith.constant 0 : i32
    %c0_i32_0 = arith.constant 0 : i32
    %c0_i32_1 = arith.constant 0 : i32
    return %c0_i32, %c0_i32_0 : i32, i32
  }
  func.func @transform_3(%arg0: i32) -> (i32, i32) {
    %c0_i32 = arith.constant 0 : i32
    %c0_i32_0 = arith.constant 0 : i32
    %c0_i32_1 = arith.constant 0 : i32
    return %c0_i32, %c0_i32_0 : i32, i32
  }
  func.func @transform_4(%arg0: i32) -> (i32, i32) {
    %c0_i32 = arith.constant 0 : i32
    %c0_i32_0 = arith.constant 0 : i32
    %c0_i32_1 = arith.constant 0 : i32
    return %c0_i32, %c0_i32_0 : i32, i32
  }
  func.func @transform_5(%arg0: i32) -> (i32, i32) {
    %c0_i32 = arith.constant 0 : i32
    %c0_i32_0 = arith.constant 0 : i32
    %c0_i32_1 = arith.constant 0 : i32
    return %c0_i32, %c0_i32_0 : i32, i32
  }
  func.func @transform_6(%arg0: i32) -> (i32, i32) {
    %c0_i32 = arith.constant 0 : i32
    %c0_i32_0 = arith.constant 0 : i32
    return %arg0, %c0_i32 : i32, i32
  }
}

</mosaic_0001>

<sc_bundles>
// kernel: _run.5.cloned.1.call-start
scs
__scs_entry_jumppad:
0x0: {  	(pc) =	sbr.rel $0x88, $3  }
0x1: {  	(tag) =	ssettag $0x0;
	lr =	simm.s32 $0x1  }
0x2: {  	[smem:$0x3F9B] =	sst lr;
	_ =	strace $0xD0000000  }
0x3: {  	_ = 	snop  }
0x4: {  	_ = 	snop  }
0x5: {  	_ = 	snop  }
0x6: {  	_ = 	snop  }
0x7: {  	_ = 	snop  }
__scs_overlays_trampoline_lowered:
0x8: {  	[smem:$0x3FAA] =	sst s0  }
0x9: {  	[smem:$0x3FAB] =	sst s1  }
0xa: {  	[smem:$0x3FAC] =	sst s2  }
0xb: {  	[smem:$0x3FAD] =	sst s3  }
0xc: {  	[smem:$0x3FAE] =	sst s4  }
0xd: {  	[smem:$0x3FAF] =	sst s5  }
0xe: {  	[smem:$0x3FB0] =	sst s6  }
0xf: {  	[smem:$0x3FB1] =	sst s7  }
0x10: {  	[smem:$0x3FB2] =	sst s8  }
0x11: {  	[smem:$0x3FB3] =	sst s9;
	s0 =	simm.s32 @!p0 $0x0  }
0x12: {  	s1 =	sld [smem:$0x3F99];
	s0 =	simm.s32 @p0 $0x1  }
0x13: {  	[smem:$0x3FB4] =	sst s0;
	s0 =	simm.s32 @!p1 $0x0  }
0x14: {  	s2 =	sld [smem:$0x3F98];
	s0 =	simm.s32 @p1 $0x1  }
0x15: {  	[smem:$0x3FB5] =	sst s0;
	s0 =	simm.s32 @!p2 $0x0  }
0x16: {  	s3 =	sld [smem:$0x3FDB];
	s0 =	simm.s32 @p2 $0x1  }
0x17: {  	s4 =	simm.s32 $0x1BF5;
	[smem:$0x3FB7] =	sst s0  }
0x18: {  	s0 =	sld [smem:$0x3F9A];
	_ =	swait.ge [sflag:s4], $0x0  }
0x19: {  	s7 =	sld [smem:$0x3F9B]  }
0x1a: {  	s8 =	sadd.s32 $0xFFFFE003, lr  }
0x1b: {  	s9 =	sadd.s32 $0xFFFFFEF7, lr;
	s5 =	simm.s32 $0xFFFFFFFF;
	p2 =	slt.u32 s8, $0xFFFFF086  }
0x1c: {  	p1 =	slt.u32 s9, $0xF7A;
	s5 =	simm.s32 @!p2 $0x0  }
0x1d: {  	s5 =	simm.s32 @p1 $0x1;
	p0 =	seq.s32 s7, s2  }
0x1e: {  	s7 =	smul.u32 @!p0 $0xF7A, s2;
	p2 =	seq.s32 @!p0 s5, $0x0  }
0x1f: {  	s9 =	smul.u32 $0xF7A, s1;
	s8 =	simm.s32 @!p0 $0x1BF5;
	p2 =	por !p2, p0  }
0x20: {  	[sflag:s8] =	ssyncset.s32 @!p0 $0xFFFFF086;
	s6 =	sadd.s32 @!p0 s3, s7;
	s7 =	simm.s32 @!p0 $0x108  }
0x21: {  	s3 =	sadd.s32 s3, s9;
	s6 =	sadd.s32 @!p0 $0x88, s6;
	s7 =	simm.s32 @p2 $0x1082  }
0x22: {  	[simem:s7], [sflag:s8] =	dma.local @!p0 [hbm:s6], $0xF7A  }
0x23: {  	s9 =	sor.u32 $0xD0000000, s2;
	s6 =	simm.s32 $0x108;
	_ =	swait.ge @!p0 [sflag:s8], $0x0  }
0x24: {  	s3 =	sadd.s32 $0x88, s3;
	s6 =	simm.s32 @!p1 $0x1082;
	[sflag:s4] =	ssyncset.s32 $0xFFFFF086  }
0x25: {  	[simem:s6], [sflag:s4] =	dma.local [hbm:s3], $0xF7A  }
0x26: {  	[smem:$0x3F9B] =	sst s1;
	(tag) =	ssettag s2;
	_ =	strace s9  }
0x27: {  	s1 =	sld [smem:$0x3FAB]  }
0x28: {  	s2 =	sld [smem:$0x3FAC]  }
0x29: {  	s4 =	sld [smem:$0x3FAE]  }
0x2a: {  	p0 =	seq.s32 s5, $0x0;
	s5 =	sld [smem:$0x3FAF]  }
0x2b: {  	s6 =	sld [smem:$0x3FB0]  }
0x2c: {  	s7 =	sld [smem:$0x3FB1]  }
0x2d: {  	s3 =	simm.s32 $0x108;
	s8 =	sld [smem:$0x3FB2]  }
0x2e: {  	s3 =	simm.s32 @!p0 $0x1082;
	s9 =	sld [smem:$0x3FB3]  }
0x2f: {  	lr =	sadd.s32 s0, s3;
	s0 =	sld [smem:$0x3FAA]  }
0x30: {  	s3 =	sld [smem:$0x3FAD]  }
0x31: {  	[smem:$0x3FB6] =	sst s10  }
0x32: {  	s10 =	sld [smem:$0x3FB4];
	_ =	sdelay $0x3  }
0x33: {  	p0 =	seq.s32 s10, $0x1;
	s10 =	sld [smem:$0x3FB6];
	_ =	sdelay $0x3  }
0x34: {  	[smem:$0x3FB6] =	sst s10  }
0x35: {  	s10 =	sld [smem:$0x3FB5];
	_ =	sdelay $0x3  }
0x36: {  	p1 =	seq.s32 s10, $0x1;
	s10 =	sld [smem:$0x3FB6];
	_ =	sdelay $0x3  }
0x37: {  	[smem:$0x3FB6] =	sst s10  }
0x38: {  	s10 =	sld [smem:$0x3FB7]  }
0x39: {  	_ = 	snop;
	(pc) =	sbr.ind lr, $3  }
0x3a: {  	_ = 	snop  }
0x3b: {  	_ = 	snop  }
0x3c: {  	p2 =	seq.s32 s10, $0x1;
	s10 =	sld [smem:$0x3FB6]  }
0x3d: {  	_ =	shalt  }
0x3e: {  	_ =	shalt  }
0x3f: {  	_ =	shalt  }
0x40: {  	_ =	shalt  }
0x41: {  	_ =	shalt  }
0x42: {  	_ =	shalt  }
0x43: {  	_ =	shalt  }
0x44: {  	_ =	shalt  }
0x45: {  	_ =	shalt  }
0x46: {  	_ =	shalt  }
0x47: {  	_ =	shalt  }
0x48: {  	_ =	shalt  }
0x49: {  	_ =	shalt  }
0x4a: {  	_ =	shalt  }
0x4b: {  	_ =	shalt  }
0x4c: {  	_ =	shalt  }
0x4d: {  	_ =	shalt  }
0x4e: {  	_ =	shalt  }
0x4f: {  	_ =	shalt  }
0x50: {  	_ =	shalt  }
0x51: {  	_ =	shalt  }
0x52: {  	_ =	shalt  }
0x53: {  	_ =	shalt  }
0x54: {  	_ =	shalt  }
0x55: {  	_ =	shalt  }
0x56: {  	_ =	shalt  }
0x57: {  	_ =	shalt  }
0x58: {  	_ =	shalt  }
0x59: {  	_ =	shalt  }
0x5a: {  	_ =	shalt  }
0x5b: {  	_ =	shalt  }
0x5c: {  	_ =	shalt  }
0x5d: {  	_ =	shalt  }
0x5e: {  	_ =	shalt  }
0x5f: {  	_ =	shalt  }
0x60: {  	_ =	shalt  }
0x61: {  	_ =	shalt  }
0x62: {  	_ =	shalt  }
0x63: {  	_ =	shalt  }
0x64: {  	_ =	shalt  }
0x65: {  	_ =	shalt  }
0x66: {  	_ =	shalt  }
0x67: {  	_ =	shalt  }
0x68: {  	_ =	shalt  }
0x69: {  	_ =	shalt  }
0x6a: {  	_ =	shalt  }
0x6b: {  	_ =	shalt  }
0x6c: {  	_ =	shalt  }
0x6d: {  	_ =	shalt  }
0x6e: {  	_ =	shalt  }
0x6f: {  	_ =	shalt  }
0x70: {  	_ =	shalt  }
0x71: {  	_ =	shalt  }
0x72: {  	_ =	shalt  }
0x73: {  	_ =	shalt  }
0x74: {  	_ =	shalt  }
0x75: {  	_ =	shalt  }
0x76: {  	_ =	shalt  }
0x77: {  	_ =	shalt  }
0x78: {  	_ =	shalt  }
0x79: {  	_ =	shalt  }
0x7a: {  	_ =	shalt  }
0x7b: {  	_ =	shalt  }
0x7c: {  	_ =	shalt  }
0x7d: {  	_ =	shalt  }
0x7e: {  	_ =	shalt  }
0x7f: {  	_ =	shalt  }
0x80: {  	_ =	shalt  }
0x81: {  	_ =	shalt  }
0x82: {  	_ =	shalt  }
0x83: {  	_ =	shalt  }
0x84: {  	_ =	shalt  }
0x85: {  	_ =	shalt  }
0x86: {  	_ =	shalt  }
0x87: {  	_ =	shalt  }
.Lfunc_end0:
.L_simem_size_0:
called_computation_lowered:
.L_overlay_start_0:
0x88: {  	s2 =	sld [smem:$0x3FD9]  }
0x89: {  	s3 =	sld [smem:$0x3FFE];
	_ =	sdelay $0x1  }
0x8a: {  	s1 =	srdreg.scid  }
0x8b: {  	s0 =	sand.u32 $0x1, s1  }
0x8c: {  	s16 =	sshll.u32 s0, $0xA;
	s2 =	sadd.s32 s3, s2  }
0x8d: {  	s2 =	sadd.s32 s2, s16  }
0x8e: {  	[smem:$0x3FC2] =	sst s2  }
0x8f: {  	_ = 	snop  }
0x90: {  	(tm) =	ssettm $0x1  }
0x91: {  	s17 =	sld [smem:$0x3FFB];
	_ =	sdelay $0x3  }
0x92: {  	_ =	strace s17  }
0x93: {  	s2 =	sld [smem:$0x3FFC];
	_ =	sdelay $0x3  }
0x94: {  	_ =	strace s2  }
0x95: {  	s2 =	sld [smem:$0x3FFD];
	_ =	sdelay $0x3  }
0x96: {  	_ =	strace s2  }
0x97: {  	_ =	strace $0x8FFFFFFF  }
0x98: {  	s18 =	sld [smem:$0x3FDB];
	_ =	sdelay $0x1  }
0x99: {  	s19 =	simm.s32 $_scs_section_size  }
0x9a: {  	s4 =	simm.s32 $_size__tile_overlayer_lowered;
	s5 =	simm.s32 $_tile_overlayer_lowered  }
0x9b: {  	s22 =	simm.s32 $0x1BFF;
	s21 =	sshll.u32 s5, $0x1;
	s2 =	sadd.s32 s19, s18  }
0x9c: {  	s6 =	simm.s32 $0x0;
	s20 =	sshll.u32 s4, $0x1;
	s4 =	sadd.s32 s21, s2  }
0x9d: {  	[timem:s6], [sflag:s22] =	dma.local [hbm:s4], s20  }
0x9e: {  	_ =	swait.ge [sflag:s22], s20  }
0x9f: {  	s3 =	ssub.s32 $0x0, s20;
	[sflag:s22] =	ssyncset.done $0x0  }
0xa0: {  	[sflag:s22] =	ssyncadd.s32 s3;
	_ =	sdelay $0x1  }
0xa1: {  	s23 =	simm.s32 $0x1B8B  }
0xa2: {  	_ =	swait.ge [sflag:s23], $0x1  }
0xa3: {  	[sflag:s23] =	ssyncset.done $0x0  }
0xa4: {  	s25 =	simm.s32 $0x1B8E;
	s24 =	sld [smem:$0x3FFE];
	[sflag:s23] =	ssyncadd.s32 $0xFFFFFFFF  }
0xa5: {  	s26 =	simm.s32 $execute0_lowered;
	[smem:$0x3FD2] =	sst s25  }
0xa6: {  	s4 =	sshll.u32 s26, $0x1;
	_ =	strace $0x80000046;
	[dreg:$0x1] =	wrdreg $0xFFFFFFFF  }
0xa7: {  	s28 =	simm.s32 $_size_execute0_lowered;
	s2 =	sadd.s32 s2, s4;
	[dreg:$0x0] =	wrdreg $0x0  }
0xa8: {  	s4 =	sshll.u32 s28, $0x1;
	[dreg:$0x2] =	wrdreg s2  }
0xa9: {  	[dreg:$0x3] =	wrdreg s4  }
0xaa: {  	[dreg:$0x4] =	wrdreg $0xC0  }
0xab: {  	_ =	task [dreg:s6], $0x5FFFF  }
0xac: {  	[dreg:$0x1] =	wrdreg $0xFFFFFFFF  }
0xad: {  	[dreg:$0x0] =	wrdreg $0x60  }
0xae: {  	[dreg:$0x2] =	wrdreg s24  }
0xaf: {  	[dreg:$0x3] =	wrdreg $0x9  }
0xb0: {  	_ =	task.clear_ibuf [dreg:s6], $0x4FFFF;
	_ =	strace $0x90000046  }
0xb1: {  	s29 =	simm.s32 $0x9;
	_ =	strace $0x80000048  }
0xb2: {  	_ =	swait.ge [sflag:s29], $0x1  }
0xb3: {  	[sflag:s29] =	ssyncadd.s32 $0xFFFFFFFF  }
0xb4: {  	_ =	strace $0x90000048  }
0xb5: {  	_ =	sfence  }
0xb6: {  	s30 =	sld [smem:$0x0];
	_ =	sdelay $0x2  }
0xb7: {  	s31 =	sshll.u32 s1, $0xD;
	s1 =	sshrl.u32 s1, $0x2  }
0xb8: {  	s3 =	sand.u32 $0x4000, s31;
	s1 =	sadd.s32 s1, s30  }
0xb9: {  	s0 =	sor.u32 s3, s0;
	s1 =	sshll.u32 s1, $0x11  }
0xba: {  	s0 =	sor.u32 s1, s0  }
0xbb: {  	s0 =	sadd.s32 $0x8F2B, s0  }
0xbc: {  	[sflag:s0] =	ssyncadd.remote.s32 $0x1  }
0xbd: {  	_ =	sfence.sel $0xFFFF  }
0xbe: {  	[dreg:$0x0] =	wrdreg $0xFFFFFFFF;
	(pc) =	sbr.abs _section_cstart, $3  }
0xbf: {  	[dreg:$0x1] =	wrdreg $0xFFFFFFFF  }
0xc0: {  	_ =	task.clear_ibuf [dreg:s6], $0x2FFFF;
	_ =	strace $0x9FFFFFFF  }
0xc1: {  	(tm) =	ssettm $0x7FFFFFFF  }
tec
execute0_lowered:
.L_overlay_start_1:
0x0: {  	(tag) =	ssettag $0x1  }
0x1: {  	s0 =	srdreg.scid  }
0x2: {  	s4 =	sand.u32 $0x1, s0  }
0x3: {  	s6 =	rddreg [dreg:$0x0];
	s0 =	stileid.u32;
	s1 =	sshll.u32 s4, $0x4  }
0x4: {  	s2 =	simm.s32 $0x0;
	s10 =	simm.s32 $0x0;
	s3 =	sor.u32 s0, s1  }
0x5: {  	[smem:$0x7FF] =	sst s2;
	s4 =	ssub.s32 $0x2, s4;
	s5 =	smul.u32 $0x139, s3  }
0x6: {  	s1 =	rddreg [dreg:$0x1];
	_ =	strace $0x80000047;
	s31 =	sshrl.u32 s4, $0x1  }
0x7: {  	s8 =	smul.u32 $0x4F0, s3;
	s3 =	sadd.s32 $0x15000, s6;
	s7 =	sshll.u32 s5, $0x2  }
0x8: {  	s9 =	sadd.s32 $0x139, s5;
	s5 =	sshrl.u32 s5, $0x2;
	s7 =	sand.u32 $0xFF80, s7  }
.Ltmp0:
0x9: {  	s30 =	sshrl.u32 s9, $0x2;
	s5 =	sand.u32 $0xFF8, s5;
	(pc) =	sbr.rel .LBB2_1-.Ltmp0, $4  }
0xa: {  	s7 =	sadd.s32 s7, s6;
	s6 =	sadd.s32 s8, s6;
	s8 =	sand.u32 $0x1FF8, s30  }
0xb: {  	s9 =	ssub.s32 s4, s31;
	s8 =	smin.u32 s8, $0x9C4;
	s6 =	sadd.s32 $0x15600, s6  }
0xc: {  	s4 =	ssub.s32 s8, s5;
	s5 =	sadd.s32 $0x1400, s7;
	s7 =	smax.u32 s9, $0x1  }
0xd: {  	v0 =	vimm.f32 $1.000000000e+00;
	s8 =	simm.s32 $0x2800;
	s9 =	simm.s32 $0x1;
	p0 =	slt.s32 s4, $0x1  }
.LBB2_3:
0xe: {  	s10 =	sadd.s32 $0x1, s10  }
0xf: {  	p1 =	sne.s32 s10, s7  }
.Ltmp1:
0x10: {  	_ = 	snop;
	(pc) =	sbr.rel @!p1 .LBB2_4-.Ltmp1, $4  }
0x11: {  	[hbm4b:s6+s2] =	stream.linear.scatter [tilespmem:s8], [sflag:$0x1], $0x2780, $0x38;
	[tilespmem:$0x4F80] =	vst v63  }
0x12: {  	_ =	swait.ge [sflag:s9], $0x2780  }
0x13: {  	[sflag:s9] =	ssyncset.done $0x0  }
0x14: {  	[sflag:s9] =	ssyncadd.s32 $0xFFFFD880  }
.LBB2_1:
0x15: {  	[tilespmem:s8], [sflag:$0x1] =	stream.linear.gather [hbm4b:s3+s2], $0x2780, $0x38;
	[tilespmem:$0x4F80] =	vst v63  }
0x16: {  	_ =	swait.ge [sflag:s9], $0x2780  }
0x17: {  	[sflag:s9] =	ssyncset.done $0x0  }
.Ltmp2:
0x18: {  	[sflag:s9] =	ssyncadd.s32 $0xFFFFD880;
	(pc) =	sbr.rel @p0 .LBB2_3-.Ltmp2, $4  }
0x19: {  	[tilespmem:s2], [sflag:$0x1] =	stream.linear.gather [hbm4b:s5+s2], $0x2800, $0x38;
	[tilespmem:$0x4F80] =	vst v63  }
0x1a: {  	_ =	swait.ge [sflag:s9], $0x2800  }
0x1b: {  	[sflag:s9] =	ssyncset.done $0x0  }
0x1c: {  	s11 =	simm.s32 $0x40;
	s12 =	simm.s32 $0x0;
	[sflag:s9] =	ssyncadd.s32 $0xFFFFD800  }
.LBB2_2:
0x1d: {  	v1 =	vld [tilespmem:s11+$0xFFFFFFC0];
	_ =	sdelay $0x7  }
0x1e: {  	[tilespmem:v1+s8+$0x0] =	vst.idx.add.f32.msk $0xffff, v0  }
0x1f: {  	v1 =	vld [tilespmem:s11+$0xFFFFFFD0];
	_ =	sdelay $0x7  }
0x20: {  	[tilespmem:v1+s8+$0x0] =	vst.idx.add.f32.msk $0xffff, v0  }
0x21: {  	v1 =	vld [tilespmem:s11+$0xFFFFFFE0];
	_ =	sdelay $0x7  }
0x22: {  	[tilespmem:v1+s8+$0x0] =	vst.idx.add.f32.msk $0xffff, v0  }
0x23: {  	v1 =	vld [tilespmem:s11+$0xFFFFFFF0];
	_ =	sdelay $0x7  }
0x24: {  	[tilespmem:v1+s8+$0x0] =	vst.idx.add.f32.msk $0xffff, v0  }
0x25: {  	v1 =	vld [tilespmem:s11+$0x0];
	_ =	sdelay $0x7  }
0x26: {  	[tilespmem:v1+s8+$0x0] =	vst.idx.add.f32.msk $0xffff, v0  }
0x27: {  	v1 =	vld [tilespmem:s11+$0x10];
	_ =	sdelay $0x7  }
0x28: {  	[tilespmem:v1+s8+$0x0] =	vst.idx.add.f32.msk $0xffff, v0  }
0x29: {  	v1 =	vld [tilespmem:s11+$0x20];
	_ =	sdelay $0x7  }
0x2a: {  	[tilespmem:v1+s8+$0x0] =	vst.idx.add.f32.msk $0xffff, v0  }
0x2b: {  	v1 =	vld [tilespmem:s11+$0x30];
	_ =	sdelay $0x1  }
0x2c: {  	s12 =	sadd.s32 $0x1, s12  }
0x2d: {  	p1 =	slt.s32 s12, s4  }
.Ltmp3:
0x2e: {  	_ = 	snop;
	(pc) =	sbr.rel @p1 .LBB2_2-.Ltmp3, $2  }
0x2f: {  	_ =	sdelay $0x2  }
0x30: {  	s11 =	sadd.s32 $0x80, s11;
	[tilespmem:v1+s8+$0x0] =	vst.idx.add.f32.msk $0xffff, v0  }
.Ltmp4:
0x31: {  	_ = 	snop;
	(pc) =	sbr.rel .LBB2_3-.Ltmp4, $1  }
0x32: {  	_ =	sdelay $0x3  }
.LBB2_4:
0x33: {  	_ =	sfence.sel $0x180000  }
0x34: {  	[bflag:$0x0] =	sbarrier.arrive $0xFFFF  }
0x35: {  	p0 =	sne.s32 s0, $0x0;
	_ =	strace $0x90000047  }
0x36: {  	s0 =	sadd.s32 @!p0 $0x100000, s1;
	[bflag:$0x2] =	sbarrier.arrive $0xFFFF  }
0x37: {  	[sflag:s0] =	ssyncadd.tile.s32 @!p0 $0x1;
	_ =	shalt  }
.Lfunc_end2:
_tile_overlayer_lowered:
.L_overlay_start_2:
0x38: {  	(tag) =	ssettag $0x2  }
0x39: {  	s0 =	rddreg [dreg:$0x0];
	s2 =	stileid.u32  }
0x3a: {  	s1 =	rddreg [dreg:$0x1];
	p0 =	sne.s32 s2, $0x0  }
0x3b: {  	s3 =	rddreg [dreg:$0x2];
	[bflag:$0x3] =	sbarrier.arrive $0xFFFF;
	s2 =	simm.s32 @!p0 $0x1C01  }
0x3c: {  	[timem:s3], [sflag:s2] =	dma.local @!p0 [hbm:s0], s1  }
0x3d: {  	s0 =	simm.s32 @!p0 $0x1  }
0x3e: {  	_ =	swait.ge @!p0 [sflag:s0], s1  }
0x3f: {  	s1 =	ssub.s32 @!p0 $0x0, s1;
	[sflag:s0] =	ssyncset.done @!p0 $0x0  }
0x40: {  	[sflag:s0] =	ssyncadd.s32 @!p0 s1  }
0x41: {  	[bflag:$0x3] =	sbarrier.arrive $0xFFFF  }
0x42: {  	_ =	shalt  }

// kernel: _run.8.cloned.1.call-start
scs
__scs_entry_jumppad:
0x0: {  	(pc) =	sbr.rel $0x88, $3  }
0x1: {  	(tag) =	ssettag $0x0;
	lr =	simm.s32 $0x1  }
0x2: {  	[smem:$0x3F9B] =	sst lr;
	_ =	strace $0xD0000000  }
0x3: {  	_ = 	snop  }
0x4: {  	_ = 	snop  }
0x5: {  	_ = 	snop  }
0x6: {  	_ = 	snop  }
0x7: {  	_ = 	snop  }
__scs_overlays_trampoline_lowered:
0x8: {  	[smem:$0x3FAA] =	sst s0  }
0x9: {  	[smem:$0x3FAB] =	sst s1  }
0xa: {  	[smem:$0x3FAC] =	sst s2  }
0xb: {  	[smem:$0x3FAD] =	sst s3  }
0xc: {  	[smem:$0x3FAE] =	sst s4  }
0xd: {  	[smem:$0x3FAF] =	sst s5  }
0xe: {  	[smem:$0x3FB0] =	sst s6  }
0xf: {  	[smem:$0x3FB1] =	sst s7  }
0x10: {  	[smem:$0x3FB2] =	sst s8  }
0x11: {  	[smem:$0x3FB3] =	sst s9;
	s0 =	simm.s32 @!p0 $0x0  }
0x12: {  	s1 =	sld [smem:$0x3F99];
	s0 =	simm.s32 @p0 $0x1  }
0x13: {  	[smem:$0x3FB4] =	sst s0;
	s0 =	simm.s32 @!p1 $0x0  }
0x14: {  	s2 =	sld [smem:$0x3F98];
	s0 =	simm.s32 @p1 $0x1  }
0x15: {  	[smem:$0x3FB5] =	sst s0;
	s0 =	simm.s32 @!p2 $0x0  }
0x16: {  	s3 =	sld [smem:$0x3FDB];
	s0 =	simm.s32 @p2 $0x1  }
0x17: {  	s4 =	simm.s32 $0x1BF5;
	[smem:$0x3FB7] =	sst s0  }
0x18: {  	s0 =	sld [smem:$0x3F9A];
	_ =	swait.ge [sflag:s4], $0x0  }
0x19: {  	s7 =	sld [smem:$0x3F9B]  }
0x1a: {  	s8 =	sadd.s32 $0xFFFFE003, lr  }
0x1b: {  	s9 =	sadd.s32 $0xFFFFFEF7, lr;
	s5 =	simm.s32 $0xFFFFFFFF;
	p2 =	slt.u32 s8, $0xFFFFF086  }
0x1c: {  	p1 =	slt.u32 s9, $0xF7A;
	s5 =	simm.s32 @!p2 $0x0  }
0x1d: {  	s5 =	simm.s32 @p1 $0x1;
	p0 =	seq.s32 s7, s2  }
0x1e: {  	s7 =	smul.u32 @!p0 $0xF7A, s2;
	p2 =	seq.s32 @!p0 s5, $0x0  }
0x1f: {  	s9 =	smul.u32 $0xF7A, s1;
	s8 =	simm.s32 @!p0 $0x1BF5;
	p2 =	por !p2, p0  }
0x20: {  	[sflag:s8] =	ssyncset.s32 @!p0 $0xFFFFF086;
	s6 =	sadd.s32 @!p0 s3, s7;
	s7 =	simm.s32 @!p0 $0x108  }
0x21: {  	s3 =	sadd.s32 s3, s9;
	s6 =	sadd.s32 @!p0 $0x88, s6;
	s7 =	simm.s32 @p2 $0x1082  }
0x22: {  	[simem:s7], [sflag:s8] =	dma.local @!p0 [hbm:s6], $0xF7A  }
0x23: {  	s9 =	sor.u32 $0xD0000000, s2;
	s6 =	simm.s32 $0x108;
	_ =	swait.ge @!p0 [sflag:s8], $0x0  }
0x24: {  	s3 =	sadd.s32 $0x88, s3;
	s6 =	simm.s32 @!p1 $0x1082;
	[sflag:s4] =	ssyncset.s32 $0xFFFFF086  }
0x25: {  	[simem:s6], [sflag:s4] =	dma.local [hbm:s3], $0xF7A  }
0x26: {  	[smem:$0x3F9B] =	sst s1;
	(tag) =	ssettag s2;
	_ =	strace s9  }
0x27: {  	s1 =	sld [smem:$0x3FAB]  }
0x28: {  	s2 =	sld [smem:$0x3FAC]  }
0x29: {  	s4 =	sld [smem:$0x3FAE]  }
0x2a: {  	p0 =	seq.s32 s5, $0x0;
	s5 =	sld [smem:$0x3FAF]  }
0x2b: {  	s6 =	sld [smem:$0x3FB0]  }
0x2c: {  	s7 =	sld [smem:$0x3FB1]  }
0x2d: {  	s3 =	simm.s32 $0x108;
	s8 =	sld [smem:$0x3FB2]  }
0x2e: {  	s3 =	simm.s32 @!p0 $0x1082;
	s9 =	sld [smem:$0x3FB3]  }
0x2f: {  	lr =	sadd.s32 s0, s3;
	s0 =	sld [smem:$0x3FAA]  }
0x30: {  	s3 =	sld [smem:$0x3FAD]  }
0x31: {  	[smem:$0x3FB6] =	sst s10  }
0x32: {  	s10 =	sld [smem:$0x3FB4];
	_ =	sdelay $0x3  }
0x33: {  	p0 =	seq.s32 s10, $0x1;
	s10 =	sld [smem:$0x3FB6];
	_ =	sdelay $0x3  }
0x34: {  	[smem:$0x3FB6] =	sst s10  }
0x35: {  	s10 =	sld [smem:$0x3FB5];
	_ =	sdelay $0x3  }
0x36: {  	p1 =	seq.s32 s10, $0x1;
	s10 =	sld [smem:$0x3FB6];
	_ =	sdelay $0x3  }
0x37: {  	[smem:$0x3FB6] =	sst s10  }
0x38: {  	s10 =	sld [smem:$0x3FB7]  }
0x39: {  	_ = 	snop;
	(pc) =	sbr.ind lr, $3  }
0x3a: {  	_ = 	snop  }
0x3b: {  	_ = 	snop  }
0x3c: {  	p2 =	seq.s32 s10, $0x1;
	s10 =	sld [smem:$0x3FB6]  }
0x3d: {  	_ =	shalt  }
0x3e: {  	_ =	shalt  }
0x3f: {  	_ =	shalt  }
0x40: {  	_ =	shalt  }
0x41: {  	_ =	shalt  }
0x42: {  	_ =	shalt  }
0x43: {  	_ =	shalt  }
0x44: {  	_ =	shalt  }
0x45: {  	_ =	shalt  }
0x46: {  	_ =	shalt  }
0x47: {  	_ =	shalt  }
0x48: {  	_ =	shalt  }
0x49: {  	_ =	shalt  }
0x4a: {  	_ =	shalt  }
0x4b: {  	_ =	shalt  }
0x4c: {  	_ =	shalt  }
0x4d: {  	_ =	shalt  }
0x4e: {  	_ =	shalt  }
0x4f: {  	_ =	shalt  }
0x50: {  	_ =	shalt  }
0x51: {  	_ =	shalt  }
0x52: {  	_ =	shalt  }
0x53: {  	_ =	shalt  }
0x54: {  	_ =	shalt  }
0x55: {  	_ =	shalt  }
0x56: {  	_ =	shalt  }
0x57: {  	_ =	shalt  }
0x58: {  	_ =	shalt  }
0x59: {  	_ =	shalt  }
0x5a: {  	_ =	shalt  }
0x5b: {  	_ =	shalt  }
0x5c: {  	_ =	shalt  }
0x5d: {  	_ =	shalt  }
0x5e: {  	_ =	shalt  }
0x5f: {  	_ =	shalt  }
0x60: {  	_ =	shalt  }
0x61: {  	_ =	shalt  }
0x62: {  	_ =	shalt  }
0x63: {  	_ =	shalt  }
0x64: {  	_ =	shalt  }
0x65: {  	_ =	shalt  }
0x66: {  	_ =	shalt  }
0x67: {  	_ =	shalt  }
0x68: {  	_ =	shalt  }
0x69: {  	_ =	shalt  }
0x6a: {  	_ =	shalt  }
0x6b: {  	_ =	shalt  }
0x6c: {  	_ =	shalt  }
0x6d: {  	_ =	shalt  }
0x6e: {  	_ =	shalt  }
0x6f: {  	_ =	shalt  }
0x70: {  	_ =	shalt  }
0x71: {  	_ =	shalt  }
0x72: {  	_ =	shalt  }
0x73: {  	_ =	shalt  }
0x74: {  	_ =	shalt  }
0x75: {  	_ =	shalt  }
0x76: {  	_ =	shalt  }
0x77: {  	_ =	shalt  }
0x78: {  	_ =	shalt  }
0x79: {  	_ =	shalt  }
0x7a: {  	_ =	shalt  }
0x7b: {  	_ =	shalt  }
0x7c: {  	_ =	shalt  }
0x7d: {  	_ =	shalt  }
0x7e: {  	_ =	shalt  }
0x7f: {  	_ =	shalt  }
0x80: {  	_ =	shalt  }
0x81: {  	_ =	shalt  }
0x82: {  	_ =	shalt  }
0x83: {  	_ =	shalt  }
0x84: {  	_ =	shalt  }
0x85: {  	_ =	shalt  }
0x86: {  	_ =	shalt  }
0x87: {  	_ =	shalt  }
.Lfunc_end0:
.L_simem_size_0:
called_computation.1_lowered:
.L_overlay_start_0:
0x88: {  	s2 =	sld [smem:$0x3FD9]  }
0x89: {  	s3 =	sld [smem:$0x3FFE];
	_ =	sdelay $0x1  }
0x8a: {  	s1 =	srdreg.scid  }
0x8b: {  	s0 =	sand.u32 $0x1, s1  }
0x8c: {  	s17 =	sshll.u32 s0, $0xA;
	s2 =	sadd.s32 s3, s2  }
0x8d: {  	s2 =	sadd.s32 s2, s17  }
0x8e: {  	[smem:$0x3FC2] =	sst s2  }
0x8f: {  	_ = 	snop  }
0x90: {  	s4 =	sld [smem:$0x3FC9]  }
0x91: {  	s18 =	sld [smem:$0x3FD0];
	(tm) =	ssettm $0x1  }
0x92: {  	s19 =	sld [smem:$0x3FFB];
	_ =	sdelay $0x3  }
0x93: {  	_ =	strace s19  }
0x94: {  	s2 =	sld [smem:$0x3FFC];
	_ =	sdelay $0x3  }
0x95: {  	_ =	strace s2  }
0x96: {  	s2 =	sld [smem:$0x3FFD];
	_ =	sdelay $0x3  }
0x97: {  	_ =	strace s2  }
0x98: {  	_ =	strace $0x8FFFFFFF  }
0x99: {  	s20 =	sld [smem:$0x3FDB];
	_ =	sdelay $0x1  }
0x9a: {  	s5 =	simm.s32 $_scs_section_size  }
0x9b: {  	s6 =	simm.s32 $_size__tile_overlayer_lowered;
	s7 =	simm.s32 $_tile_overlayer_lowered  }
0x9c: {  	s8 =	simm.s32 $0x1BFF;
	s21 =	sshll.u32 s7, $0x1;
	s5 =	sadd.s32 s5, s20  }
0x9d: {  	s22 =	simm.s32 $0x0;
	s6 =	sshll.u32 s6, $0x1;
	s7 =	sadd.s32 s21, s5  }
0x9e: {  	[timem:s22], [sflag:s8] =	dma.local [hbm:s7], s6  }
0x9f: {  	_ =	swait.ge [sflag:s8], s6  }
0xa0: {  	s6 =	ssub.s32 $0x0, s6;
	[sflag:s8] =	ssyncset.done $0x0  }
0xa1: {  	[sflag:s8] =	ssyncadd.s32 s6;
	_ =	sdelay $0x1  }
0xa2: {  	s23 =	simm.s32 $0x1B8B  }
0xa3: {  	_ =	swait.ge [sflag:s23], $0x1  }
0xa4: {  	[sflag:s23] =	ssyncset.done $0x0  }
0xa5: {  	[sflag:s23] =	ssyncadd.s32 $0xFFFFFFFF  }
0xa6: {  	s6 =	sld [smem:$0x0]  }
0xa7: {  	s7 =	sand.u32 $0xFFFFFFFE, s1  }
0xa8: {  	p0 =	sne.s32 s1, s7  }
0xa9: {  	s7 =	sshll.u32 @p0 s7, $0xE  }
0xaa: {  	s7 =	sadd.s32 @p0 $0x11B8D, s7;
	s8 =	sshll.u32 @p0 s6, $0x11  }
0xab: {  	s7 =	sor.u32 @p0 s8, s7  }
0xac: {  	[sflag:s7] =	ssyncadd.remote.s32 @p0 $0x1;
	_ =	sdelay $0x1  }
0xad: {  	s7 =	simm.s32 @p0 $0x1B8D  }
0xae: {  	_ =	swait.eq @p0 [sflag:s7], $0x1  }
0xaf: {  	[sflag:s7] =	ssyncadd.s32 @p0 $0xFFFFFFFF  }
0xb0: {  	s8 =	sshll.u32 @!p0 s1, $0xE  }
0xb1: {  	s8 =	sor.u32 @!p0 $0x4000, s8;
	s7 =	simm.s32 @!p0 $0x1B8D  }
0xb2: {  	s6 =	sshll.u32 @!p0 s6, $0x11;
	s8 =	sadd.s32 @!p0 $0x11B8D, s8;
	_ =	swait.eq @!p0 [sflag:s7], $0x1  }
0xb3: {  	s6 =	sor.u32 @!p0 s6, s8;
	[sflag:s7] =	ssyncadd.s32 @!p0 $0xFFFFFFFF  }
0xb4: {  	s25 =	simm.s32 $0x1B8E;
	s24 =	sld [smem:$0x3FFE];
	[sflag:s6] =	ssyncadd.remote.s32 @!p0 $0x1  }
0xb5: {  	s26 =	simm.s32 $execute0_lowered;
	[smem:$0x3FD2] =	sst s25  }
0xb6: {  	s7 =	sshll.u32 s26, $0x1;
	_ =	strace $0x80000049;
	[dreg:$0x1] =	wrdreg $0xFFFFFFFF  }
0xb7: {  	s28 =	simm.s32 $_size_execute0_lowered;
	s5 =	sadd.s32 s5, s7;
	[dreg:$0x0] =	wrdreg $0x0  }
0xb8: {  	s7 =	sshll.u32 s28, $0x1;
	[dreg:$0x2] =	wrdreg s5  }
0xb9: {  	[dreg:$0x3] =	wrdreg s7  }
0xba: {  	[dreg:$0x4] =	wrdreg $0xC0  }
0xbb: {  	_ =	task [dreg:s22], $0x5FFFF  }
0xbc: {  	[dreg:$0x1] =	wrdreg $0xFFFFFFFF  }
0xbd: {  	[dreg:$0x0] =	wrdreg $0x60  }
0xbe: {  	[dreg:$0x2] =	wrdreg s4  }
0xbf: {  	[dreg:$0x3] =	wrdreg s24  }
0xc0: {  	[dreg:$0x4] =	wrdreg s18  }
0xc1: {  	[dreg:$0x5] =	wrdreg $0xC1800  }
0xc2: {  	[dreg:$0x6] =	wrdreg $0xA  }
0xc3: {  	_ =	task.clear_ibuf [dreg:s22], $0x7FFFF;
	_ =	strace $0x90000049  }
0xc4: {  	s29 =	simm.s32 $0xA;
	_ =	strace $0x8000004B  }
0xc5: {  	_ =	swait.ge [sflag:s29], $0x1  }
0xc6: {  	[sflag:s29] =	ssyncadd.s32 $0xFFFFFFFF  }
0xc7: {  	_ =	strace $0x9000004B  }
0xc8: {  	_ =	sfence  }
0xc9: {  	s30 =	sld [smem:$0x0];
	_ =	sdelay $0x2  }
0xca: {  	s31 =	sshll.u32 s1, $0xD;
	s1 =	sshrl.u32 s1, $0x2  }
0xcb: {  	s4 =	sand.u32 $0x4000, s31;
	s1 =	sadd.s32 s1, s30  }
0xcc: {  	s0 =	sor.u32 s4, s0;
	s1 =	sshll.u32 s1, $0x11  }
0xcd: {  	s0 =	sor.u32 s1, s0  }
0xce: {  	s0 =	sadd.s32 $0x8F2B, s0  }
0xcf: {  	[sflag:s0] =	ssyncadd.remote.s32 $0x1  }
0xd0: {  	_ =	sfence.sel $0xFFFF  }
0xd1: {  	[dreg:$0x0] =	wrdreg $0xFFFFFFFF;
	(pc) =	sbr.abs _section_cstart, $3  }
0xd2: {  	[dreg:$0x1] =	wrdreg $0xFFFFFFFF  }
0xd3: {  	_ =	task.clear_ibuf [dreg:s22], $0x2FFFF;
	_ =	strace $0x9FFFFFFF  }
0xd4: {  	(tm) =	ssettm $0x7FFFFFFF  }
0xd5: {  	_ =	shalt  }
tec
execute0_lowered:
.L_overlay_start_1:
0x0: {  	(tag) =	ssettag $0x1  }
0x1: {  	s1 =	rddreg [dreg:$0x0]  }
0x2: {  	s0 =	srdreg.scid;
	s6 =	rddreg [dreg:$0x1]  }
0x3: {  	s19 =	stileid.u32;
	s28 =	simm.s32 $0x3;
	s29 =	simm.s32 $0x6  }
0x4: {  	s30 =	simm.s32 $0x8;
	s31 =	simm.s32 $0x9;
	s2 =	sand.u32 $0x1, s0  }
0x5: {  	s0 =	rddreg [dreg:$0x2];
	s5 =	sadd.s32 $0xB200, s6;
	s13 =	smul.u32 $0x2780, s19  }
0x6: {  	s11 =	smul.u32 $0x4F000, s19;
	s6 =	sadd.s32 $0x1F400, s6;
	s3 =	sshll.u32 s2, $0x4  }
0x7: {  	s25 =	sshll.u32 s19, $0x6;
	s9 =	ssub.s32 $0x2, s2;
	s4 =	sor.u32 s19, s3  }
0x8: {  	s3 =	rddreg [dreg:$0x3];
	s7 =	smul.u32 $0x139, s4;
	s4 =	simm.s32 $0x0  }
0x9: {  	s18 =	sshrl.u32 s9, $0x1;
	s22 =	sshrl.u32 s11, $0x2;
	[smem:$0x7FF] =	sst s4  }
0xa: {  	s19 =	smul.u32 $0x139, s19;
	s8 =	sadd.s32 $0x139, s7;
	_ =	strace $0x8000004A  }
0xb: {  	[dreg:$0x6] =	wrdreg s6;
	s6 =	ssub.s32 s9, s18;
	s18 =	smul.u32 $0x1390, s2  }
0xc: {  	s7 =	sshrl.u32 s7, $0x2;
	s2 =	smul.u32 $0x27800, s2;
	s8 =	sshrl.u32 s8, $0x2  }
0xd: {  	s10 =	sand.u32 $0xFF8, s7;
	s7 =	simm.s32 $0x1;
	s8 =	sand.u32 $0x1FF8, s8  }
0xe: {  	s26 =	sshll.u32 s10, $0x4;
	s18 =	sadd.s32 s19, s18;
	s2 =	sadd.s32 s13, s2  }
0xf: {  	s19 =	simm.s32 $0x80;
	s17 =	smin.u32 s8, $0x9C4;
	s11 =	sadd.s32 s5, s26  }
0x10: {  	s13 =	sadd.s32 s0, s2;
	s2 =	simm.s32 $0x0;
	s14 =	ssub.s32 s17, s10  }
0x11: {  	p0 =	sne.s32 s17, s10;
	[dreg:$0x7] =	wrdreg s11;
	s20 =	smul.u32 $0xFFFFAAAB, s14  }
0x12: {  	s21 =	smul.u32 $0x5556, s14;
	s12 =	sshra.s32 s14, $0x1F;
	s7 =	simm.s32 @!p0 $0x0  }
0x13: {  	s7 =	sor.u32 s7, s12;
	s12 =	sshll.u32 s10, $0xB;
	s8 =	sadd.s32 $0x2AAA, s20  }
0x14: {  	s15 =	sshrl.u32 s21, $0x1F;
	s9 =	sshrl.u32 s21, $0x10;
	p6 =	sne.s32 s7, $0x1  }
0x15: {  	s7 =	sor.u32 $0x1C0A, s25;
	s20 =	sor.u32 $0x1, s10;
	s21 =	sadd.s32 s1, s12  }
0x16: {  	s12 =	simm.s32 $0x1;
	s8 =	sand.u32 $0xFFFE, s8;
	s23 =	sadd.s32 s15, s9  }
0x17: {  	s9 =	simm.s32 $0x1;
	s15 =	sadd.s32 s22, s3;
	[dreg:$0x8] =	wrdreg s21  }
0x18: {  	s10 =	sshll.u32 s20, $0x4;
	s11 =	sshll.u32 s20, $0xB;
	s20 =	simm.s32 $0x4180  }
0x19: {  	s21 =	simm.s32 $0x4;
	p1 =	sgt.u32 s8, $0x5554;
	s8 =	sshll.u32 s23, $0x10  }
0x1a: {  	s22 =	sadd.s32 s5, s10;
	s11 =	sadd.s32 s1, s11;
	p0 =	por !p1, !p6  }
0x1b: {  	s23 =	sshrl.u32 s18, $0x2;
	s18 =	simm.s32 $0x180;
	p0 =	por !p0, !p0  }
0x1c: {  	s24 =	sshra.s32 s8, $0x10;
	[dreg:$0x9] =	wrdreg s22;
	s9 =	simm.s32 @!p0 $0x0  }
0x1d: {  	s26 =	sand.u32 $0xFF8, s23;
	s22 =	simm.s32 $0x100;
	s16 =	ssub.s32 s24, s9  }
0x1e: {  	s23 =	simm.s32 $0x8180;
	s17 =	smul.u32 $0xFFFFFFFD, s16;
	s24 =	ssub.s32 $0x0, s16  }
.Ltmp0:
0x1f: {  	p0 =	slt.s32 s16, $0x1;
	s16 =	sshrl.u32 s15, $0x3;
	(pc) =	sbr.rel .LBB2_1-.Ltmp0, $4  }
0x20: {  	[dreg:$0x5] =	wrdreg s24;
	s24 =	simm.s32 $0x2;
	s25 =	sadd.s32 s14, s17  }
0x21: {  	s14 =	smax.u32 s6, $0x1;
	s6 =	sor.u32 $0x4, s26;
	s17 =	simm.s32 $0xA  }
0x22: {  	s26 =	simm.s32 $0x7;
	p1 =	slt.s32 s25, $0x1;
	p2 =	seq.s32 s25, $0x1  }
0x23: {  	p3 =	sne.s32 s25, $0x2;
	p4 =	sne.s32 s25, $0x0;
	s25 =	simm.s32 $0x5  }
.LBB2_10:
0x24: {  	s0 =	simm.s32 $0x7  }
.LBB2_13:
0x25: {  	_ =	swait.ge [sflag:s0], $0x4000  }
0x26: {  	[sflag:s0] =	ssyncset.done $0x0  }
0x27: {  	[sflag:s0] =	ssyncadd.s32 $0xFFFFC000  }
.LBB2_14:
0x28: {  	s2 =	sadd.s32 $0x1, s2  }
0x29: {  	p5 =	sne.s32 s2, s14  }
.Ltmp1:
0x2a: {  	[bflag:$0x0] =	sbarrier.arrive $0xFFFF;
	(pc) =	sbr.rel @!p5 .LBB2_15-.Ltmp1, $4  }
0x2b: {  	[hbm:s13], [sflag:s7] =	dma.local [spmem:s16], $0x2780  }
0x2c: {  	_ =	swait.ge [sflag:s17], $0x2780  }
0x2d: {  	[sflag:s17] =	ssyncset.done $0x0  }
0x2e: {  	[sflag:s17] =	ssyncadd.s32 $0xFFFFD880  }
.LBB2_1:
0x2f: {  	s0 =	rddreg [dreg:$0x6]  }
0x30: {  	[spmem:s16], [sflag:s7] =	dma.local [hbm:s0], $0x2780  }
0x31: {  	_ =	swait.ge [sflag:s17], $0x2780  }
0x32: {  	[sflag:s17] =	ssyncset.done $0x0  }
0x33: {  	[sflag:s17] =	ssyncadd.s32 $0xFFFFD880  }
0x34: {  	[bflag:$0x0] =	sbarrier.arrive $0xFFFF  }
0x35: {  	s9 =	rddreg [dreg:$0x7]  }
0x36: {  	[tilespmem:s4], [sflag:$0x1] =	stream.linear.gather [hbm4b:s9+s4], $0x80, $0x38;
	[tilespmem:$0x1FD80] =	vst v63  }
0x37: {  	s10 =	rddreg [dreg:$0x8]  }
0x38: {  	[tilespmem:s18], [sflag:$0x4] =	stream.linear.gather [hbm4b:s10+s4], $0x4000, $0x38;
	[tilespmem:$0x1FD80] =	vst v63  }
.Ltmp2:
0x39: {  	_ = 	snop;
	(pc) =	sbr.rel @p0 .LBB2_3-.Ltmp2, $4  }
0x3a: {  	s15 =	rddreg [dreg:$0x9]  }
0x3b: {  	[tilespmem:s19], [sflag:$0x2] =	stream.linear.gather [hbm4b:s15+s4], $0x80, $0x38;
	[tilespmem:$0x1FD80] =	vst v63  }
0x3c: {  	s0 =	simm.s32 $0x0;
	s15 =	smov.u32 s6  }
0x3d: {  	[tilespmem:s20], [sflag:$0x5] =	stream.linear.gather [hbm4b:s11+s4], $0x4000, $0x38;
	[tilespmem:$0x1FD80] =	vst v63  }
.LBB2_2:
0x3e: {  	_ =	swait.ge [sflag:s12], $0x80  }
0x3f: {  	[sflag:s12] =	ssyncset.done $0x0  }
0x40: {  	[sflag:s12] =	ssyncadd.s32 $0xFFFFFF80  }
0x41: {  	_ =	swait.ge [sflag:s21], $0x4000  }
0x42: {  	p5 =	seq.s32 s0, $0x0;
	s8 =	sadd.s32 $0xFFFFFFFE, s15;
	[sflag:s21] =	ssyncset.done $0x0  }
0x43: {  	s9 =	simm.s32 @!p5 $0x9;
	p6 =	slt.s32 s8, $0x9C3;
	[sflag:s21] =	ssyncadd.s32 $0xFFFFC000  }
0x44: {  	[spmem:s3] =	stream.indirect.scatter.add.f32 [tilespmem:s18], [sflag:$0x7], $0x80, s4, s19, $0xb8;
	[tilespmem:$0x1FD80] =	vst v63  }
0x45: {  	s8 =	simm.s32 @!p6 $0x9C3;
	_ =	swait.ge @!p5 [sflag:s9], $0x4000  }
0x46: {  	s10 =	sshll.u32 s8, $0x4;
	[sflag:s9] =	ssyncset.done @!p5 $0x0  }
0x47: {  	s8 =	sshll.u32 s8, $0xB;
	s10 =	sadd.s32 s5, s10;
	[sflag:s9] =	ssyncadd.s32 @!p5 $0xFFFFC000  }
0x48: {  	[tilespmem:s22], [sflag:$0x3] =	stream.linear.gather [hbm4b:s10+s4], $0x80, $0x38;
	[tilespmem:$0x1FD80] =	vst v63  }
0x49: {  	s8 =	sadd.s32 s1, s8  }
0x4a: {  	[tilespmem:s23], [sflag:$0x6] =	stream.linear.gather [hbm4b:s8+s4], $0x4000, $0x38;
	[tilespmem:$0x1FD80] =	vst v63  }
0x4b: {  	_ =	swait.ge [sflag:s24], $0x80  }
0x4c: {  	[sflag:s24] =	ssyncset.done $0x0  }
0x4d: {  	[sflag:s24] =	ssyncadd.s32 $0xFFFFFF80  }
0x4e: {  	_ =	swait.ge [sflag:s25], $0x4000  }
0x4f: {  	s8 =	sadd.s32 $0xFFFFFFFF, s15;
	[sflag:s25] =	ssyncset.done $0x0  }
0x50: {  	p5 =	slt.s32 s8, $0x9C3;
	[sflag:s25] =	ssyncadd.s32 $0xFFFFC000  }
0x51: {  	[spmem:s3] =	stream.indirect.scatter.add.f32 [tilespmem:s20], [sflag:$0x8], $0x80, s19, s19, $0xb8;
	[tilespmem:$0x1FD80] =	vst v63  }
0x52: {  	s8 =	simm.s32 @!p5 $0x9C3;
	_ =	swait.ge [sflag:s26], $0x4000  }
0x53: {  	s10 =	sshll.u32 s8, $0x4;
	[sflag:s26] =	ssyncset.done $0x0  }
0x54: {  	s8 =	sshll.u32 s8, $0xB;
	s9 =	sadd.s32 s5, s10;
	[sflag:s26] =	ssyncadd.s32 $0xFFFFC000  }
0x55: {  	[tilespmem:s4], [sflag:$0x1] =	stream.linear.gather [hbm4b:s9+s4], $0x80, $0x38;
	[tilespmem:$0x1FD80] =	vst v63  }
0x56: {  	s8 =	sadd.s32 s1, s8  }
0x57: {  	[tilespmem:s18], [sflag:$0x4] =	stream.linear.gather [hbm4b:s8+s4], $0x4000, $0x38;
	[tilespmem:$0x1FD80] =	vst v63  }
0x58: {  	_ =	swait.ge [sflag:s28], $0x80  }
0x59: {  	[sflag:s28] =	ssyncset.done $0x0  }
0x5a: {  	[sflag:s28] =	ssyncadd.s32 $0xFFFFFF80  }
0x5b: {  	_ =	swait.ge [sflag:s29], $0x4000  }
0x5c: {  	p5 =	slt.s32 s15, $0x9C3;
	[sflag:s29] =	ssyncset.done $0x0  }
0x5d: {  	s8 =	sadd.s32 $0x3, s15;
	s15 =	simm.s32 @!p5 $0x9C3;
	[sflag:s29] =	ssyncadd.s32 $0xFFFFC000  }
0x5e: {  	[spmem:s3] =	stream.indirect.scatter.add.f32 [tilespmem:s23], [sflag:$0x9], $0x80, s22, s19, $0xb8;
	[tilespmem:$0x1FD80] =	vst v63  }
0x5f: {  	s0 =	sadd.s32 $0xFFFFFFFF, s0;
	s10 =	sshll.u32 s15, $0x4;
	_ =	swait.ge [sflag:s30], $0x4000  }
0x60: {  	s9 =	sadd.s32 s5, s10;
	s10 =	sshll.u32 s15, $0xB;
	s15 =	rddreg [dreg:$0x5]  }
0x61: {  	p5 =	sne.s32 s15, s0  }
.Ltmp3:
0x62: {  	[sflag:s30] =	ssyncset.done $0x0;
	(pc) =	sbr.rel @p5 .LBB2_2-.Ltmp3, $4  }
0x63: {  	[sflag:s30] =	ssyncadd.s32 $0xFFFFC000  }
0x64: {  	[tilespmem:s19], [sflag:$0x2] =	stream.linear.gather [hbm4b:s9+s4], $0x80, $0x38;
	[tilespmem:$0x1FD80] =	vst v63  }
0x65: {  	s15 =	smov.u32 s8;
	s9 =	sadd.s32 s1, s10  }
0x66: {  	[tilespmem:s20], [sflag:$0x5] =	stream.linear.gather [hbm4b:s9+s4], $0x4000, $0x38;
	[tilespmem:$0x1FD80] =	vst v63  }
.LBB2_3:
.Ltmp4:
0x67: {  	(pc) =	sbr.rel @p1 .LBB2_6-.Ltmp4, $1  }
0x68: {  	_ =	sdelay $0x3  }
0x69: {  	_ =	swait.ge [sflag:s12], $0x80  }
0x6a: {  	[sflag:s12] =	ssyncset.done $0x0  }
0x6b: {  	[sflag:s12] =	ssyncadd.s32 $0xFFFFFF80  }
0x6c: {  	_ =	swait.ge [sflag:s21], $0x4000  }
0x6d: {  	[sflag:s21] =	ssyncset.done $0x0  }
.Ltmp5:
0x6e: {  	[sflag:s21] =	ssyncadd.s32 $0xFFFFC000;
	(pc) =	sbr.rel @p2 .LBB2_8-.Ltmp5, $4  }
0x6f: {  	[spmem:s3] =	stream.indirect.scatter.add.f32 [tilespmem:s18], [sflag:$0x7], $0x80, s4, s19, $0xb8;
	[tilespmem:$0x1FD80] =	vst v63  }
0x70: {  	_ =	swait.ge [sflag:s31], $0x4000  }
0x71: {  	[sflag:s31] =	ssyncset.done $0x0  }
0x72: {  	[sflag:s31] =	ssyncadd.s32 $0xFFFFC000  }
0x73: {  	_ =	swait.ge [sflag:s24], $0x80  }
0x74: {  	[sflag:s24] =	ssyncset.done $0x0  }
.Ltmp6:
0x75: {  	[sflag:s24] =	ssyncadd.s32 $0xFFFFFF80;
	(pc) =	sbr.rel .LBB2_9-.Ltmp6, $4  }
0x76: {  	_ =	swait.ge [sflag:s25], $0x4000  }
0x77: {  	[sflag:s25] =	ssyncset.done $0x0  }
0x78: {  	s0 =	simm.s32 $0x7;
	[sflag:s25] =	ssyncadd.s32 $0xFFFFC000  }
0x79: {  	[spmem:s3] =	stream.indirect.scatter.add.f32 [tilespmem:s20], [sflag:$0x8], $0x80, s19, s19, $0xb8;
	[tilespmem:$0x1FD80] =	vst v63  }
.LBB2_6:
.Ltmp7:
0x7a: {  	(pc) =	sbr.rel @!p4 .LBB2_7-.Ltmp7, $1  }
0x7b: {  	_ =	sdelay $0x3  }
.LBB2_8:
0x7c: {  	_ =	swait.ge [sflag:s24], $0x80  }
0x7d: {  	[sflag:s24] =	ssyncset.done $0x0  }
0x7e: {  	s0 =	simm.s32 $0x5;
	[sflag:s24] =	ssyncadd.s32 $0xFFFFFF80  }
.LBB2_9:
.Ltmp8:
0x7f: {  	(pc) =	sbr.rel @p2 .LBB2_10-.Ltmp8, $4  }
0x80: {  	_ = 	snop  }
0x81: {  	_ =	swait.ge [sflag:s0], $0x4000  }
0x82: {  	[sflag:s0] =	ssyncset.done $0x0  }
0x83: {  	[sflag:s0] =	ssyncadd.s32 $0xFFFFC000  }
.Ltmp9:
0x84: {  	(pc) =	sbr.rel @p3 .LBB2_14-.Ltmp9, $1  }
0x85: {  	_ =	sdelay $0x3  }
.Ltmp10:
0x86: {  	(pc) =	sbr.rel .LBB2_13-.Ltmp10, $2  }
0x87: {  	_ =	sdelay $0x2  }
0x88: {  	s0 =	simm.s32 $0x8  }
.LBB2_7:
0x89: {  	_ =	swait.ge [sflag:s12], $0x80  }
0x8a: {  	[sflag:s12] =	ssyncset.done $0x0  }
0x8b: {  	[sflag:s12] =	ssyncadd.s32 $0xFFFFFF80  }
0x8c: {  	_ =	swait.ge [sflag:s21], $0x4000  }
0x8d: {  	[sflag:s21] =	ssyncset.done $0x0  }
0x8e: {  	[sflag:s21] =	ssyncadd.s32 $0xFFFFC000  }
0x8f: {  	_ =	swait.ge [sflag:s24], $0x80  }
.Ltmp11:
0x90: {  	[sflag:s24] =	ssyncset.done $0x0;
	(pc) =	sbr.rel .LBB2_13-.Ltmp11, $4  }
0x91: {  	[sflag:s24] =	ssyncadd.s32 $0xFFFFFF80  }
0x92: {  	_ =	swait.ge [sflag:s25], $0x4000  }
0x93: {  	[sflag:s25] =	ssyncset.done $0x0  }
0x94: {  	s0 =	simm.s32 $0x9;
	[sflag:s25] =	ssyncadd.s32 $0xFFFFC000  }
.LBB2_15:
0x95: {  	_ =	sfence.sel $0x180000  }
0x96: {  	[bflag:$0x0] =	sbarrier.arrive $0xFFFF  }
0x97: {  	_ =	strace $0x9000004A  }
0x98: {  	s0 =	stileid.u32;
	[bflag:$0x2] =	sbarrier.arrive $0xFFFF  }
0x99: {  	p0 =	sne.s32 s0, $0x0;
	s0 =	rddreg [dreg:$0x4]  }
0x9a: {  	s0 =	sadd.s32 @!p0 $0x100000, s0  }
0x9b: {  	[sflag:s0] =	ssyncadd.tile.s32 @!p0 $0x1;
	_ =	shalt  }
.Lfunc_end2:
_tile_overlayer_lowered:
.L_overlay_start_2:
0x9c: {  	(tag) =	ssettag $0x2  }
0x9d: {  	s0 =	rddreg [dreg:$0x0];
	s2 =	stileid.u32  }
0x9e: {  	s1 =	rddreg [dreg:$0x1];
	p0 =	sne.s32 s2, $0x0  }
0x9f: {  	s3 =	rddreg [dreg:$0x2];
	[bflag:$0x3] =	sbarrier.arrive $0xFFFF;
	s2 =	simm.s32 @!p0 $0x1C0A  }
0xa0: {  	[timem:s3], [sflag:s2] =	dma.local @!p0 [hbm:s0], s1  }
0xa1: {  	s0 =	simm.s32 @!p0 $0xA  }
0xa2: {  	_ =	swait.ge @!p0 [sflag:s0], s1  }
0xa3: {  	s1 =	ssub.s32 @!p0 $0x0, s1;
	[sflag:s0] =	ssyncset.done @!p0 $0x0  }
0xa4: {  	[sflag:s0] =	ssyncadd.s32 @!p0 s1  }
0xa5: {  	[bflag:$0x3] =	sbarrier.arrive $0xFFFF  }
0xa6: {  	_ =	shalt  }

</sc_bundles>
